<compile_context>
chip_gen: v7x
topology: tpu7x:2x2x1
jax: 0.10.2.dev20260603
libtpu: 0.0.44.dev20260713+nightly
codegen_flags: <defaults>
</compile_context>

<pallas_src>
import functools

import jax
import jax.numpy as jnp
from jax import lax
from jax.experimental import pallas as pl
from jax.experimental.pallas import tpu as pltpu
from jax.experimental.pallas import tpu_sc as plsc

_NC = 2
_NS = 16
_NW = _NC * _NS


def _make_gather(n, da, dr):
    half = n // 2
    bpw = half // _NW
    ch = 512
    grp = bpw // ch
    k = ch // 128

    mesh = plsc.VectorSubcoreMesh(core_axis_name="c", subcore_axis_name="s")

    @functools.partial(
        pl.kernel,
        mesh=mesh,
        compiler_params=pltpu.CompilerParams(use_tc_tiling_on_sc=False),
        out_type=jax.ShapeDtypeStruct((half, 128), jnp.float32),
        scratch_types=[
            pltpu.VMEM((ch,), jnp.int32),
            pltpu.VMEM((ch,), jnp.int32),
            pltpu.VMEM((ch,), jnp.int32),
            pltpu.VMEM((ch,), jnp.int32),
            pltpu.VMEM((ch, da), jnp.float32),
            pltpu.VMEM((ch, da), jnp.float32),
            pltpu.VMEM((ch, dr), jnp.float32),
            pltpu.VMEM((ch, dr), jnp.float32),
            pltpu.SemaphoreType.DMA,
            pltpu.SemaphoreType.DMA,
        ],
    )
    def gather_k(aid_hbm, rid_hbm, at_hbm, rt_hbm, out,
                 aidx1, aidx2, ridx1, ridx2, a1, a2, r1, r2, sema, semr):
        wid = lax.axis_index("s") * _NC + lax.axis_index("c")

        def body(g, carry):
            base = pl.multiple_of(wid * bpw + g * ch, ch)
            base2 = base + half
            pltpu.sync_copy(aid_hbm.at[pl.ds(base, ch)], aidx1)
            pltpu.sync_copy(aid_hbm.at[pl.ds(base2, ch)], aidx2)
            pltpu.sync_copy(rid_hbm.at[pl.ds(base, ch)], ridx1)
            pltpu.sync_copy(rid_hbm.at[pl.ds(base2, ch)], ridx2)
            handles = []
            for j in range(k):
                sl = pl.ds(j * 128, 128)
                handles.append(pltpu.async_copy(
                    at_hbm.at[aidx1.at[sl]], a1.at[sl], sema))
                handles.append(pltpu.async_copy(
                    at_hbm.at[aidx2.at[sl]], a2.at[sl], sema))
                handles.append(pltpu.async_copy(
                    rt_hbm.at[ridx1.at[sl]], r1.at[sl], semr))
                handles.append(pltpu.async_copy(
                    rt_hbm.at[ridx2.at[sl]], r2.at[sl], semr))
            for h in handles:
                h.wait()
            rows = pl.ds(base, ch)
            pltpu.sync_copy(a1, out.at[rows, pl.ds(0, da)])
            pltpu.sync_copy(r1, out.at[rows, pl.ds(da, dr)])
            pltpu.sync_copy(a2, out.at[rows, pl.ds(64, da)])
            pltpu.sync_copy(r2, out.at[rows, pl.ds(64 + da, dr)])
            return carry

        lax.fori_loop(0, grp, body, 0)

    return gather_k


def _dense_body(x_ref, f1_ref, f2_ref, wc_ref, wnf_ref, sh4_ref, sh_ref,
                hh_ref, m1_ref, m2_ref, g2c_ref, o_ref, *, total_in, nd, dm):
    x = x_ref[...]
    rblk = x.shape[0]
    nfd = total_in - nd
    inv_n = 1.0 / float(total_in)
    inv_dm = 1.0 / float(dm)
    lane = lax.broadcasted_iota(jnp.int32, (1, 128), 1)
    memb = jnp.logical_or(lane < nd,
                          jnp.logical_and(lane >= 64, lane < 64 + nd))
    xf = jnp.where(memb, x, 0.0)

    zp = jnp.zeros((8 - nfd, rblk), jnp.float32)
    nf1 = jnp.concatenate(
        [jnp.log1p(jnp.maximum(f1_ref[...], 0.0)), zp], axis=0)
    nf2 = jnp.concatenate(
        [jnp.log1p(jnp.maximum(f2_ref[...], 0.0)), zp], axis=0)
    dn = (((0,), (0,)), ((), ()))

    sh = sh_ref[...]
    xs = jnp.dot(xf, sh, preferred_element_type=jnp.float32)
    x2s = jnp.dot(xf * xf, sh, preferred_element_type=jnp.float32)
    nfq = jnp.concatenate([nf1, nf2, nf1 * nf1, nf2 * nf2], axis=0)
    sums = lax.dot_general(nfq, sh4_ref[...], dn,
                           preferred_element_type=jnp.float32)
    mu1 = (xs[:, 0:1] + sums[:, 0:1]) * inv_n
    mu2 = (xs[:, 1:2] + sums[:, 1:2]) * inv_n
    var1 = (x2s[:, 0:1] + sums[:, 2:3]) * inv_n - mu1 * mu1
    var2 = (x2s[:, 1:2] + sums[:, 3:4]) * inv_n - mu2 * mu2
    inv1 = lax.rsqrt(jnp.maximum(var1, 0.0) + 1e-5)
    inv2 = lax.rsqrt(jnp.maximum(var2, 0.0) + 1e-5)

    y = jnp.dot(xf, wc_ref[...], preferred_element_type=jnp.float32)
    y = y + lax.dot_general(nfq, wnf_ref[...], dn,
                            preferred_element_type=jnp.float32)
    ones = jnp.ones((rblk, 1), jnp.float32)
    zp5 = jnp.zeros((rblk, 5), jnp.float32)
    p = jnp.concatenate([mu1 * inv1, mu2 * inv2, ones, zp5], axis=1)
    t = jnp.dot(p, m1_ref[...], preferred_element_type=jnp.float32)
    z1 = y[:, 0:dm] * inv1 + t[:, 0:dm]
    z2 = y[:, dm:2 * dm] * inv2 + t[:, dm:2 * dm]
    z = jnp.concatenate([z1, z2], axis=1)

    yg = 0.5 * z * (1.0 + lax.erf(z * 0.7071067811865476))
    hh = hh_ref[...]
    s = jnp.dot(yg, hh, preferred_element_type=jnp.float32)
    s2 = jnp.dot(yg * yg, hh, preferred_element_type=jnp.float32)
    mua = s[:, 0:1] * inv_dm
    mub = s[:, 1:2] * inv_dm
    vara = s2[:, 0:1] * inv_dm - mua * mua
    varb = s2[:, 1:2] * inv_dm - mub * mub
    ra = lax.rsqrt(jnp.maximum(vara, 0.0) + 1e-5)
    rb = lax.rsqrt(jnp.maximum(varb, 0.0) + 1e-5)
    p2 = jnp.concatenate([mua * ra, mub * rb, ones, zp5], axis=1)
    t2 = jnp.dot(p2, m2_ref[...], preferred_element_type=jnp.float32)
    g2c = g2c_ref[...]
    o_ref[0] = yg[:, 0:dm] * ra * g2c[:, 0:dm] + t2[:, 0:dm]
    o_ref[1] = yg[:, dm:2 * dm] * rb * g2c[:, dm:2 * dm] + t2[:, dm:2 * dm]


def _dense(packed, nft, wc, wnf, sh4, sh, hh, m1, m2, g2c, total_in, nd):
    half = packed.shape[0]
    nfd = nft.shape[0]
    dm = wc.shape[1] // 2
    rblk = 4096
    nblk = half // rblk
    out = pl.pallas_call(
        functools.partial(_dense_body, total_in=total_in, nd=nd, dm=dm),
        grid=(nblk,),
        in_specs=[
            pl.BlockSpec((rblk, 128), lambda i: (i, 0)),
            pl.BlockSpec((nfd, rblk), lambda i: (0, i)),
            pl.BlockSpec((nfd, rblk), lambda i, _n=nblk: (0, i + _n)),
            pl.BlockSpec((128, 2 * dm), lambda i: (0, 0)),
            pl.BlockSpec((32, 2 * dm), lambda i: (0, 0)),
            pl.BlockSpec((32, 8), lambda i: (0, 0)),
            pl.BlockSpec((128, 8), lambda i: (0, 0)),
            pl.BlockSpec((2 * dm, 8), lambda i: (0, 0)),
            pl.BlockSpec((8, 2 * dm), lambda i: (0, 0)),
            pl.BlockSpec((8, 2 * dm), lambda i: (0, 0)),
            pl.BlockSpec((1, 2 * dm), lambda i: (0, 0)),
        ],
        out_specs=pl.BlockSpec((2, rblk, dm), lambda i: (0, i, 0)),
        out_shape=jax.ShapeDtypeStruct((2, half, dm), jnp.float32),
    )(packed, nft, nft, wc, wnf, sh4, sh, hh, m1, m2, g2c)
    return out.reshape(2 * half, dm)


def kernel(act_ids, res_ids, num_feats, act_table, res_table,
           ln1_g, ln1_b, W, b, ln2_g, ln2_b):
    n = act_ids.shape[0]
    da = act_table.shape[1]
    dr = res_table.shape[1]
    nfd = num_feats.shape[1]
    dm = W.shape[1]
    nd = da + dr
    tin = nd + nfd

    aid = act_ids.astype(jnp.int32)
    rid = res_ids.astype(jnp.int32)
    packed = _make_gather(n, da, dr)(aid, rid, act_table, res_table)

    wg = W * ln1_g[:, None]
    wc = jnp.zeros((128, 2 * dm), jnp.float32)
    wc = wc.at[0:nd, 0:dm].set(wg[0:nd])
    wc = wc.at[64:64 + nd, dm:2 * dm].set(wg[0:nd])
    wnf = jnp.zeros((32, 2 * dm), jnp.float32)
    wnf = wnf.at[0:nfd, 0:dm].set(wg[nd:])
    wnf = wnf.at[8:8 + nfd, dm:2 * dm].set(wg[nd:])
    sh4 = jnp.zeros((32, 8), jnp.float32)
    sh4 = sh4.at[0:8, 0].set(1.0)
    sh4 = sh4.at[8:16, 1].set(1.0)
    sh4 = sh4.at[16:24, 2].set(1.0)
    sh4 = sh4.at[24:32, 3].set(1.0)
    sh = jnp.zeros((128, 8), jnp.float32)
    sh = sh.at[0:nd, 0].set(1.0)
    sh = sh.at[64:64 + nd, 1].set(1.0)
    hh = jnp.zeros((2 * dm, 8), jnp.float32)
    hh = hh.at[0:dm, 0].set(1.0)
    hh = hh.at[dm:2 * dm, 1].set(1.0)
    csum = jnp.sum(wg, axis=0)
    beff = ln1_b @ W + b
    m1 = jnp.zeros((8, 2 * dm), jnp.float32)
    m1 = m1.at[0, 0:dm].set(-csum)
    m1 = m1.at[1, dm:2 * dm].set(-csum)
    m1 = m1.at[2, 0:dm].set(beff)
    m1 = m1.at[2, dm:2 * dm].set(beff)
    m2 = jnp.zeros((8, 2 * dm), jnp.float32)
    m2 = m2.at[0, 0:dm].set(-ln2_g)
    m2 = m2.at[1, dm:2 * dm].set(-ln2_g)
    m2 = m2.at[2, 0:dm].set(ln2_b)
    m2 = m2.at[2, dm:2 * dm].set(ln2_b)
    g2c = jnp.concatenate([ln2_g, ln2_g]).reshape(1, 2 * dm)
    nft = num_feats.T
    return _dense(packed, nft, wc, wnf, sh4, sh, hh, m1, m2, g2c, tin, nd)

# --- scband reference (transcript-rebuilt; emitter-appended) ---
"""Pipeline reference for scband-event-embedder-50809463112298 (READ-ONLY COPY).

The authoritative reference and input builder live on the scoring server;
editing this copy changes nothing except your own understanding.
"""

import jax, jax.numpy as jnp
import numpy as np

N = 819200
ACT_VOCAB = 1000000
RES_VOCAB = 100000
ACT_DIM = 32
RES_DIM = 16
NUM_FEAT = 3
D_MODEL = 128
TOTAL_IN = ACT_DIM + RES_DIM + NUM_FEAT


def layer_norm(x, g, b, eps=1e-5):
    mu = jnp.mean(x, axis=-1, keepdims=True)
    var = jnp.mean((x - mu) ** 2, axis=-1, keepdims=True)
    return (x - mu) / jnp.sqrt(var + eps) * g + b


def setup_inputs(seed: int = 0) -> dict:
    key = jax.random.key(seed)
    ks = jax.random.split(key, 8)
    act_ids = jax.random.randint(ks[0], (N,), 0, ACT_VOCAB, dtype=jnp.int64) if jax.config.jax_enable_x64 else jax.random.randint(ks[0], (N,), 0, ACT_VOCAB, dtype=jnp.int32)
    res_ids = jax.random.randint(ks[1], (N,), 0, RES_VOCAB, dtype=jnp.int32)
    num_feats = jax.random.uniform(ks[2], (N, NUM_FEAT), dtype=jnp.float32)
    act_table = (jax.random.normal(ks[3], (ACT_VOCAB, ACT_DIM), jnp.float32) * 0.02).at[0].set(0.0)
    res_table = (jax.random.normal(ks[4], (RES_VOCAB, RES_DIM), jnp.float32) * 0.02).at[0].set(0.0)
    ln1_g = jnp.ones((TOTAL_IN,), jnp.float32)
    ln1_b = jnp.zeros((TOTAL_IN,), jnp.float32)
    W = jax.random.normal(ks[5], (TOTAL_IN, D_MODEL), jnp.float32) * 0.02
    b = jnp.zeros((D_MODEL,), jnp.float32)
    ln2_g = jnp.ones((D_MODEL,), jnp.float32)
    ln2_b = jnp.zeros((D_MODEL,), jnp.float32)
    return {"act_ids": act_ids, "res_ids": res_ids, "num_feats": num_feats,
            "act_table": act_table, "res_table": res_table,
            "ln1_g": ln1_g, "ln1_b": ln1_b, "W": W, "b": b,
            "ln2_g": ln2_g, "ln2_b": ln2_b}


def reference(act_ids, res_ids, num_feats, act_table, res_table, ln1_g, ln1_b, W, b, ln2_g, ln2_b):
    act_emb = jnp.take(act_table, act_ids, axis=0)
    res_emb = jnp.take(res_table, res_ids, axis=0)
    nf = jnp.log1p(jnp.clip(num_feats, 0.0, None))
    x = jnp.concatenate([act_emb, res_emb, nf], axis=-1)
    x = layer_norm(x, ln1_g, ln1_b)
    x = x @ W + b
    x = jax.nn.gelu(x, approximate=False)
    x = layer_norm(x, ln2_g, ln2_b)
    return x  # dropout is identity in eval mode

if __name__ == "__main__":
    import jax
    _d = setup_inputs()
    print(jax.jit(kernel)(*tuple(_d.values())))

</pallas_src>

<mosaic_0001>
#map = affine_map<(d0, d1) -> (0)>
#map1 = affine_map<(d0, d1) -> (0, 0)>
module attributes {stable_mosaic.version = 14 : i64} {
  func.func @gather_k(%arg0: i32, %arg1: i32, %arg2: memref<819200xi32, #tpu.memory_space<hbm>>, %arg3: memref<819200xi32, #tpu.memory_space<hbm>>, %arg4: memref<1000000x32xf32, #tpu.memory_space<hbm>>, %arg5: memref<100000x16xf32, #tpu.memory_space<hbm>>, %arg6: memref<409600x128xf32, #tpu.memory_space<hbm>>, %arg7: memref<512xi32, #tpu.memory_space<vmem>>, %arg8: memref<512xi32, #tpu.memory_space<vmem>>, %arg9: memref<512xi32, #tpu.memory_space<vmem>>, %arg10: memref<512xi32, #tpu.memory_space<vmem>>, %arg11: memref<512x32xf32, #tpu.memory_space<vmem>>, %arg12: memref<512x32xf32, #tpu.memory_space<vmem>>, %arg13: memref<512x16xf32, #tpu.memory_space<vmem>>, %arg14: memref<512x16xf32, #tpu.memory_space<vmem>>, %arg15: memref<!tpu.dma_semaphore, #tpu.memory_space<semaphore_mem>>, %arg16: memref<!tpu.dma_semaphore, #tpu.memory_space<semaphore_mem>>) attributes {dimension_semantics = [#tpu.dimension_semantics<core_parallel>, #tpu.dimension_semantics<subcore_parallel>], iteration_bounds = array<i64: 2, 16>, scalar_prefetch = 0 : i64, scratch_operands = 10 : i64, tpu.core_type = #tpu.core_type<sc_vector_subcore>, window_params = [{transform_indices = #map}, {transform_indices = #map}, {transform_indices = #map1}, {transform_indices = #map1}, {transform_indices = #map1}]} {
    %mul3A = arith.constant 2 : i32
    %mul3A_0 = arith.muli %arg1, %mul3A : i32
    %add3A = arith.addi %mul3A_0, %arg0 : i32
    %scan3A = arith.constant 0 : i32
    %scan3A_1 = arith.constant 0 : i32
    %scan3A_2 = arith.constant 25 : i32
    %scan3A_3 = arith.addi %scan3A_1, %scan3A_2 : i32
    %scan3A_4 = arith.constant 1 : i32
    scf.for %scan3A_6 = %scan3A_1 to %scan3A_3 step %scan3A_4  : i32 {
      %mul3A_7 = arith.constant 12800 : i32
      %mul3A_8 = arith.muli %add3A, %mul3A_7 : i32
      %mul3A_9 = arith.constant 512 : i32
      %mul3A_10 = arith.muli %scan3A_6, %mul3A_9 : i32
      %add3A_11 = arith.addi %mul3A_8, %mul3A_10 : i32
      %multiple_of3A = tpu.assume_multiple %add3A_11, 512 : i32
      %add3A_12 = arith.constant 409600 : i32
      %add3A_13 = arith.addi %multiple_of3A, %add3A_12 : i32
      "tpu.region"() ({
        %run_scoped3A = tpu.sem_alloc : memref<!tpu.dma_semaphore, #tpu.memory_space<semaphore_mem>>
        %dma_start3A_268 = tpu.memref_slice %arg2[%multiple_of3A] : memref<819200xi32, #tpu.memory_space<hbm>> -> memref<512xi32, #tpu.memory_space<hbm>>
        %dma_start3A_269 = tpu.memref_slice %arg2[%multiple_of3A] : memref<819200xi32, #tpu.memory_space<hbm>> -> memref<512xi32, #tpu.memory_space<hbm>>
        tpu.enqueue_dma source(%dma_start3A_269 : memref<512xi32, #tpu.memory_space<hbm>>) target(%arg7 : memref<512xi32, #tpu.memory_space<vmem>>) target_semaphore(%run_scoped3A : memref<!tpu.dma_semaphore, #tpu.memory_space<semaphore_mem>>)
        %dma_wait3A_270 = tpu.memref_slice %arg2[%multiple_of3A] : memref<819200xi32, #tpu.memory_space<hbm>> -> memref<512xi32, #tpu.memory_space<hbm>>
        %dma_wait3A_271 = tpu.memref_slice %arg2[%multiple_of3A] : memref<819200xi32, #tpu.memory_space<hbm>> -> memref<512xi32, #tpu.memory_space<hbm>>
        tpu.wait_dma2 semaphore(%run_scoped3A : memref<!tpu.dma_semaphore, #tpu.memory_space<semaphore_mem>>) src(%dma_wait3A_271 : memref<512xi32, #tpu.memory_space<hbm>>) dst(%arg7 : memref<512xi32, #tpu.memory_space<vmem>>)
        tpu.yield
      }) : () -> ()
      "tpu.region"() ({
        %run_scoped3A = tpu.sem_alloc : memref<!tpu.dma_semaphore, #tpu.memory_space<semaphore_mem>>
        %dma_start3A_268 = tpu.memref_slice %arg2[%add3A_13] : memref<819200xi32, #tpu.memory_space<hbm>> -> memref<512xi32, #tpu.memory_space<hbm>>
        %dma_start3A_269 = tpu.memref_slice %arg2[%add3A_13] : memref<819200xi32, #tpu.memory_space<hbm>> -> memref<512xi32, #tpu.memory_space<hbm>>
        tpu.enqueue_dma source(%dma_start3A_269 : memref<512xi32, #tpu.memory_space<hbm>>) target(%arg8 : memref<512xi32, #tpu.memory_space<vmem>>) target_semaphore(%run_scoped3A : memref<!tpu.dma_semaphore, #tpu.memory_space<semaphore_mem>>)
        %dma_wait3A_270 = tpu.memref_slice %arg2[%add3A_13] : memref<819200xi32, #tpu.memory_space<hbm>> -> memref<512xi32, #tpu.memory_space<hbm>>
        %dma_wait3A_271 = tpu.memref_slice %arg2[%add3A_13] : memref<819200xi32, #tpu.memory_space<hbm>> -> memref<512xi32, #tpu.memory_space<hbm>>
        tpu.wait_dma2 semaphore(%run_scoped3A : memref<!tpu.dma_semaphore, #tpu.memory_space<semaphore_mem>>) src(%dma_wait3A_271 : memref<512xi32, #tpu.memory_space<hbm>>) dst(%arg8 : memref<512xi32, #tpu.memory_space<vmem>>)
        tpu.yield
      }) : () -> ()
      "tpu.region"() ({
        %run_scoped3A = tpu.sem_alloc : memref<!tpu.dma_semaphore, #tpu.memory_space<semaphore_mem>>
        %dma_start3A_268 = tpu.memref_slice %arg3[%multiple_of3A] : memref<819200xi32, #tpu.memory_space<hbm>> -> memref<512xi32, #tpu.memory_space<hbm>>
        %dma_start3A_269 = tpu.memref_slice %arg3[%multiple_of3A] : memref<819200xi32, #tpu.memory_space<hbm>> -> memref<512xi32, #tpu.memory_space<hbm>>
        tpu.enqueue_dma source(%dma_start3A_269 : memref<512xi32, #tpu.memory_space<hbm>>) target(%arg9 : memref<512xi32, #tpu.memory_space<vmem>>) target_semaphore(%run_scoped3A : memref<!tpu.dma_semaphore, #tpu.memory_space<semaphore_mem>>)
        %dma_wait3A_270 = tpu.memref_slice %arg3[%multiple_of3A] : memref<819200xi32, #tpu.memory_space<hbm>> -> memref<512xi32, #tpu.memory_space<hbm>>
        %dma_wait3A_271 = tpu.memref_slice %arg3[%multiple_of3A] : memref<819200xi32, #tpu.memory_space<hbm>> -> memref<512xi32, #tpu.memory_space<hbm>>
        tpu.wait_dma2 semaphore(%run_scoped3A : memref<!tpu.dma_semaphore, #tpu.memory_space<semaphore_mem>>) src(%dma_wait3A_271 : memref<512xi32, #tpu.memory_space<hbm>>) dst(%arg9 : memref<512xi32, #tpu.memory_space<vmem>>)
        tpu.yield
      }) : () -> ()
      "tpu.region"() ({
        %run_scoped3A = tpu.sem_alloc : memref<!tpu.dma_semaphore, #tpu.memory_space<semaphore_mem>>
        %dma_start3A_268 = tpu.memref_slice %arg3[%add3A_13] : memref<819200xi32, #tpu.memory_space<hbm>> -> memref<512xi32, #tpu.memory_space<hbm>>
        %dma_start3A_269 = tpu.memref_slice %arg3[%add3A_13] : memref<819200xi32, #tpu.memory_space<hbm>> -> memref<512xi32, #tpu.memory_space<hbm>>
        tpu.enqueue_dma source(%dma_start3A_269 : memref<512xi32, #tpu.memory_space<hbm>>) target(%arg10 : memref<512xi32, #tpu.memory_space<vmem>>) target_semaphore(%run_scoped3A : memref<!tpu.dma_semaphore, #tpu.memory_space<semaphore_mem>>)
        %dma_wait3A_270 = tpu.memref_slice %arg3[%add3A_13] : memref<819200xi32, #tpu.memory_space<hbm>> -> memref<512xi32, #tpu.memory_space<hbm>>
        %dma_wait3A_271 = tpu.memref_slice %arg3[%add3A_13] : memref<819200xi32, #tpu.memory_space<hbm>> -> memref<512xi32, #tpu.memory_space<hbm>>
        tpu.wait_dma2 semaphore(%run_scoped3A : memref<!tpu.dma_semaphore, #tpu.memory_space<semaphore_mem>>) src(%dma_wait3A_271 : memref<512xi32, #tpu.memory_space<hbm>>) dst(%arg10 : memref<512xi32, #tpu.memory_space<vmem>>)
        tpu.yield
      }) : () -> ()
      %dma_start3A = arith.constant 0 : i32
      %dma_start3A_14 = arith.constant 0 : i32
      %dma_start3A_15 = tpu.memref_slice %arg11[%dma_start3A, %dma_start3A_14] : memref<512x32xf32, #tpu.memory_space<vmem>> -> memref<128x32xf32, #tpu.memory_space<vmem>>
      %dma_start3A_16 = arith.constant 0 : i32
      %dma_start3A_17 = tpu.memref_slice %arg7[%dma_start3A_16] : memref<512xi32, #tpu.memory_space<vmem>> -> memref<128xi32, #tpu.memory_space<vmem>>
      %dma_start3A_18 = arith.constant 0 : i32
      %dma_start3A_19 = arith.constant 0 : i32
      %dma_start3A_20 = tpu.memref_slice %arg4[%dma_start3A_18, %dma_start3A_19] : memref<1000000x32xf32, #tpu.memory_space<hbm>> -> memref<1000000x32xf32, #tpu.memory_space<hbm>>
      tpu.enqueue_indirect_dma source(%dma_start3A_20 : memref<1000000x32xf32, #tpu.memory_space<hbm>>) target(%dma_start3A_15 : memref<128x32xf32, #tpu.memory_space<vmem>>) offsets(%dma_start3A_17 : memref<128xi32, #tpu.memory_space<vmem>>) semaphore(%arg15 : memref<!tpu.dma_semaphore, #tpu.memory_space<semaphore_mem>>)
      %dma_start3A_21 = arith.constant 0 : i32
      %dma_start3A_22 = arith.constant 0 : i32
      %dma_start3A_23 = tpu.memref_slice %arg12[%dma_start3A_21, %dma_start3A_22] : memref<512x32xf32, #tpu.memory_space<vmem>> -> memref<128x32xf32, #tpu.memory_space<vmem>>
      %dma_start3A_24 = arith.constant 0 : i32
      %dma_start3A_25 = tpu.memref_slice %arg8[%dma_start3A_24] : memref<512xi32, #tpu.memory_space<vmem>> -> memref<128xi32, #tpu.memory_space<vmem>>
      %dma_start3A_26 = arith.constant 0 : i32
      %dma_start3A_27 = arith.constant 0 : i32
      %dma_start3A_28 = tpu.memref_slice %arg4[%dma_start3A_26, %dma_start3A_27] : memref<1000000x32xf32, #tpu.memory_space<hbm>> -> memref<1000000x32xf32, #tpu.memory_space<hbm>>
      tpu.enqueue_indirect_dma source(%dma_start3A_28 : memref<1000000x32xf32, #tpu.memory_space<hbm>>) target(%dma_start3A_23 : memref<128x32xf32, #tpu.memory_space<vmem>>) offsets(%dma_start3A_25 : memref<128xi32, #tpu.memory_space<vmem>>) semaphore(%arg15 : memref<!tpu.dma_semaphore, #tpu.memory_space<semaphore_mem>>)
      %dma_start3A_29 = arith.constant 0 : i32
      %dma_start3A_30 = arith.constant 0 : i32
      %dma_start3A_31 = tpu.memref_slice %arg13[%dma_start3A_29, %dma_start3A_30] : memref<512x16xf32, #tpu.memory_space<vmem>> -> memref<128x16xf32, #tpu.memory_space<vmem>>
      %dma_start3A_32 = arith.constant 0 : i32
      %dma_start3A_33 = tpu.memref_slice %arg9[%dma_start3A_32] : memref<512xi32, #tpu.memory_space<vmem>> -> memref<128xi32, #tpu.memory_space<vmem>>
      %dma_start3A_34 = arith.constant 0 : i32
      %dma_start3A_35 = arith.constant 0 : i32
      %dma_start3A_36 = tpu.memref_slice %arg5[%dma_start3A_34, %dma_start3A_35] : memref<100000x16xf32, #tpu.memory_space<hbm>> -> memref<100000x16xf32, #tpu.memory_space<hbm>>
      tpu.enqueue_indirect_dma source(%dma_start3A_36 : memref<100000x16xf32, #tpu.memory_space<hbm>>) target(%dma_start3A_31 : memref<128x16xf32, #tpu.memory_space<vmem>>) offsets(%dma_start3A_33 : memref<128xi32, #tpu.memory_space<vmem>>) semaphore(%arg16 : memref<!tpu.dma_semaphore, #tpu.memory_space<semaphore_mem>>)
      %dma_start3A_37 = arith.constant 0 : i32
      %dma_start3A_38 = arith.constant 0 : i32
      %dma_start3A_39 = tpu.memref_slice %arg14[%dma_start3A_37, %dma_start3A_38] : memref<512x16xf32, #tpu.memory_space<vmem>> -> memref<128x16xf32, #tpu.memory_space<vmem>>
      %dma_start3A_40 = arith.constant 0 : i32
      %dma_start3A_41 = tpu.memref_slice %arg10[%dma_start3A_40] : memref<512xi32, #tpu.memory_space<vmem>> -> memref<128xi32, #tpu.memory_space<vmem>>
      %dma_start3A_42 = arith.constant 0 : i32
      %dma_start3A_43 = arith.constant 0 : i32
      %dma_start3A_44 = tpu.memref_slice %arg5[%dma_start3A_42, %dma_start3A_43] : memref<100000x16xf32, #tpu.memory_space<hbm>> -> memref<100000x16xf32, #tpu.memory_space<hbm>>
      tpu.enqueue_indirect_dma source(%dma_start3A_44 : memref<100000x16xf32, #tpu.memory_space<hbm>>) target(%dma_start3A_39 : memref<128x16xf32, #tpu.memory_space<vmem>>) offsets(%dma_start3A_41 : memref<128xi32, #tpu.memory_space<vmem>>) semaphore(%arg16 : memref<!tpu.dma_semaphore, #tpu.memory_space<semaphore_mem>>)
      %dma_start3A_45 = arith.constant 128 : i32
      %dma_start3A_46 = arith.constant 0 : i32
      %dma_start3A_47 = tpu.memref_slice %arg11[%dma_start3A_45, %dma_start3A_46] : memref<512x32xf32, #tpu.memory_space<vmem>> -> memref<128x32xf32, #tpu.memory_space<vmem>>
      %dma_start3A_48 = arith.constant 128 : i32
      %dma_start3A_49 = tpu.memref_slice %arg7[%dma_start3A_48] : memref<512xi32, #tpu.memory_space<vmem>> -> memref<128xi32, #tpu.memory_space<vmem>>
      %dma_start3A_50 = arith.constant 0 : i32
      %dma_start3A_51 = arith.constant 0 : i32
      %dma_start3A_52 = tpu.memref_slice %arg4[%dma_start3A_50, %dma_start3A_51] : memref<1000000x32xf32, #tpu.memory_space<hbm>> -> memref<1000000x32xf32, #tpu.memory_space<hbm>>
      tpu.enqueue_indirect_dma source(%dma_start3A_52 : memref<1000000x32xf32, #tpu.memory_space<hbm>>) target(%dma_start3A_47 : memref<128x32xf32, #tpu.memory_space<vmem>>) offsets(%dma_start3A_49 : memref<128xi32, #tpu.memory_space<vmem>>) semaphore(%arg15 : memref<!tpu.dma_semaphore, #tpu.memory_space<semaphore_mem>>)
      %dma_start3A_53 = arith.constant 128 : i32
      %dma_start3A_54 = arith.constant 0 : i32
      %dma_start3A_55 = tpu.memref_slice %arg12[%dma_start3A_53, %dma_start3A_54] : memref<512x32xf32, #tpu.memory_space<vmem>> -> memref<128x32xf32, #tpu.memory_space<vmem>>
      %dma_start3A_56 = arith.constant 128 : i32
      %dma_start3A_57 = tpu.memref_slice %arg8[%dma_start3A_56] : memref<512xi32, #tpu.memory_space<vmem>> -> memref<128xi32, #tpu.memory_space<vmem>>
      %dma_start3A_58 = arith.constant 0 : i32
      %dma_start3A_59 = arith.constant 0 : i32
      %dma_start3A_60 = tpu.memref_slice %arg4[%dma_start3A_58, %dma_start3A_59] : memref<1000000x32xf32, #tpu.memory_space<hbm>> -> memref<1000000x32xf32, #tpu.memory_space<hbm>>
      tpu.enqueue_indirect_dma source(%dma_start3A_60 : memref<1000000x32xf32, #tpu.memory_space<hbm>>) target(%dma_start3A_55 : memref<128x32xf32, #tpu.memory_space<vmem>>) offsets(%dma_start3A_57 : memref<128xi32, #tpu.memory_space<vmem>>) semaphore(%arg15 : memref<!tpu.dma_semaphore, #tpu.memory_space<semaphore_mem>>)
      %dma_start3A_61 = arith.constant 128 : i32
      %dma_start3A_62 = arith.constant 0 : i32
      %dma_start3A_63 = tpu.memref_slice %arg13[%dma_start3A_61, %dma_start3A_62] : memref<512x16xf32, #tpu.memory_space<vmem>> -> memref<128x16xf32, #tpu.memory_space<vmem>>
      %dma_start3A_64 = arith.constant 128 : i32
      %dma_start3A_65 = tpu.memref_slice %arg9[%dma_start3A_64] : memref<512xi32, #tpu.memory_space<vmem>> -> memref<128xi32, #tpu.memory_space<vmem>>
      %dma_start3A_66 = arith.constant 0 : i32
      %dma_start3A_67 = arith.constant 0 : i32
      %dma_start3A_68 = tpu.memref_slice %arg5[%dma_start3A_66, %dma_start3A_67] : memref<100000x16xf32, #tpu.memory_space<hbm>> -> memref<100000x16xf32, #tpu.memory_space<hbm>>
      tpu.enqueue_indirect_dma source(%dma_start3A_68 : memref<100000x16xf32, #tpu.memory_space<hbm>>) target(%dma_start3A_63 : memref<128x16xf32, #tpu.memory_space<vmem>>) offsets(%dma_start3A_65 : memref<128xi32, #tpu.memory_space<vmem>>) semaphore(%arg16 : memref<!tpu.dma_semaphore, #tpu.memory_space<semaphore_mem>>)
      %dma_start3A_69 = arith.constant 128 : i32
      %dma_start3A_70 = arith.constant 0 : i32
      %dma_start3A_71 = tpu.memref_slice %arg14[%dma_start3A_69, %dma_start3A_70] : memref<512x16xf32, #tpu.memory_space<vmem>> -> memref<128x16xf32, #tpu.memory_space<vmem>>
      %dma_start3A_72 = arith.constant 128 : i32
      %dma_start3A_73 = tpu.memref_slice %arg10[%dma_start3A_72] : memref<512xi32, #tpu.memory_space<vmem>> -> memref<128xi32, #tpu.memory_space<vmem>>
      %dma_start3A_74 = arith.constant 0 : i32
      %dma_start3A_75 = arith.constant 0 : i32
      %dma_start3A_76 = tpu.memref_slice %arg5[%dma_start3A_74, %dma_start3A_75] : memref<100000x16xf32, #tpu.memory_space<hbm>> -> memref<100000x16xf32, #tpu.memory_space<hbm>>
      tpu.enqueue_indirect_dma source(%dma_start3A_76 : memref<100000x16xf32, #tpu.memory_space<hbm>>) target(%dma_start3A_71 : memref<128x16xf32, #tpu.memory_space<vmem>>) offsets(%dma_start3A_73 : memref<128xi32, #tpu.memory_space<vmem>>) semaphore(%arg16 : memref<!tpu.dma_semaphore, #tpu.memory_space<semaphore_mem>>)
      %dma_start3A_77 = arith.constant 256 : i32
      %dma_start3A_78 = arith.constant 0 : i32
      %dma_start3A_79 = tpu.memref_slice %arg11[%dma_start3A_77, %dma_start3A_78] : memref<512x32xf32, #tpu.memory_space<vmem>> -> memref<128x32xf32, #tpu.memory_space<vmem>>
      %dma_start3A_80 = arith.constant 256 : i32
      %dma_start3A_81 = tpu.memref_slice %arg7[%dma_start3A_80] : memref<512xi32, #tpu.memory_space<vmem>> -> memref<128xi32, #tpu.memory_space<vmem>>
      %dma_start3A_82 = arith.constant 0 : i32
      %dma_start3A_83 = arith.constant 0 : i32
      %dma_start3A_84 = tpu.memref_slice %arg4[%dma_start3A_82, %dma_start3A_83] : memref<1000000x32xf32, #tpu.memory_space<hbm>> -> memref<1000000x32xf32, #tpu.memory_space<hbm>>
      tpu.enqueue_indirect_dma source(%dma_start3A_84 : memref<1000000x32xf32, #tpu.memory_space<hbm>>) target(%dma_start3A_79 : memref<128x32xf32, #tpu.memory_space<vmem>>) offsets(%dma_start3A_81 : memref<128xi32, #tpu.memory_space<vmem>>) semaphore(%arg15 : memref<!tpu.dma_semaphore, #tpu.memory_space<semaphore_mem>>)
      %dma_start3A_85 = arith.constant 256 : i32
      %dma_start3A_86 = arith.constant 0 : i32
      %dma_start3A_87 = tpu.memref_slice %arg12[%dma_start3A_85, %dma_start3A_86] : memref<512x32xf32, #tpu.memory_space<vmem>> -> memref<128x32xf32, #tpu.memory_space<vmem>>
      %dma_start3A_88 = arith.constant 256 : i32
      %dma_start3A_89 = tpu.memref_slice %arg8[%dma_start3A_88] : memref<512xi32, #tpu.memory_space<vmem>> -> memref<128xi32, #tpu.memory_space<vmem>>
      %dma_start3A_90 = arith.constant 0 : i32
      %dma_start3A_91 = arith.constant 0 : i32
      %dma_start3A_92 = tpu.memref_slice %arg4[%dma_start3A_90, %dma_start3A_91] : memref<1000000x32xf32, #tpu.memory_space<hbm>> -> memref<1000000x32xf32, #tpu.memory_space<hbm>>
      tpu.enqueue_indirect_dma source(%dma_start3A_92 : memref<1000000x32xf32, #tpu.memory_space<hbm>>) target(%dma_start3A_87 : memref<128x32xf32, #tpu.memory_space<vmem>>) offsets(%dma_start3A_89 : memref<128xi32, #tpu.memory_space<vmem>>) semaphore(%arg15 : memref<!tpu.dma_semaphore, #tpu.memory_space<semaphore_mem>>)
      %dma_start3A_93 = arith.constant 256 : i32
      %dma_start3A_94 = arith.constant 0 : i32
      %dma_start3A_95 = tpu.memref_slice %arg13[%dma_start3A_93, %dma_start3A_94] : memref<512x16xf32, #tpu.memory_space<vmem>> -> memref<128x16xf32, #tpu.memory_space<vmem>>
      %dma_start3A_96 = arith.constant 256 : i32
      %dma_start3A_97 = tpu.memref_slice %arg9[%dma_start3A_96] : memref<512xi32, #tpu.memory_space<vmem>> -> memref<128xi32, #tpu.memory_space<vmem>>
      %dma_start3A_98 = arith.constant 0 : i32
      %dma_start3A_99 = arith.constant 0 : i32
      %dma_start3A_100 = tpu.memref_slice %arg5[%dma_start3A_98, %dma_start3A_99] : memref<100000x16xf32, #tpu.memory_space<hbm>> -> memref<100000x16xf32, #tpu.memory_space<hbm>>
      tpu.enqueue_indirect_dma source(%dma_start3A_100 : memref<100000x16xf32, #tpu.memory_space<hbm>>) target(%dma_start3A_95 : memref<128x16xf32, #tpu.memory_space<vmem>>) offsets(%dma_start3A_97 : memref<128xi32, #tpu.memory_space<vmem>>) semaphore(%arg16 : memref<!tpu.dma_semaphore, #tpu.memory_space<semaphore_mem>>)
      %dma_start3A_101 = arith.constant 256 : i32
      %dma_start3A_102 = arith.constant 0 : i32
      %dma_start3A_103 = tpu.memref_slice %arg14[%dma_start3A_101, %dma_start3A_102] : memref<512x16xf32, #tpu.memory_space<vmem>> -> memref<128x16xf32, #tpu.memory_space<vmem>>
      %dma_start3A_104 = arith.constant 256 : i32
      %dma_start3A_105 = tpu.memref_slice %arg10[%dma_start3A_104] : memref<512xi32, #tpu.memory_space<vmem>> -> memref<128xi32, #tpu.memory_space<vmem>>
      %dma_start3A_106 = arith.constant 0 : i32
      %dma_start3A_107 = arith.constant 0 : i32
      %dma_start3A_108 = tpu.memref_slice %arg5[%dma_start3A_106, %dma_start3A_107] : memref<100000x16xf32, #tpu.memory_space<hbm>> -> memref<100000x16xf32, #tpu.memory_space<hbm>>
      tpu.enqueue_indirect_dma source(%dma_start3A_108 : memref<100000x16xf32, #tpu.memory_space<hbm>>) target(%dma_start3A_103 : memref<128x16xf32, #tpu.memory_space<vmem>>) offsets(%dma_start3A_105 : memref<128xi32, #tpu.memory_space<vmem>>) semaphore(%arg16 : memref<!tpu.dma_semaphore, #tpu.memory_space<semaphore_mem>>)
      %dma_start3A_109 = arith.constant 384 : i32
      %dma_start3A_110 = arith.constant 0 : i32
      %dma_start3A_111 = tpu.memref_slice %arg11[%dma_start3A_109, %dma_start3A_110] : memref<512x32xf32, #tpu.memory_space<vmem>> -> memref<128x32xf32, #tpu.memory_space<vmem>>
      %dma_start3A_112 = arith.constant 384 : i32
      %dma_start3A_113 = tpu.memref_slice %arg7[%dma_start3A_112] : memref<512xi32, #tpu.memory_space<vmem>> -> memref<128xi32, #tpu.memory_space<vmem>>
      %dma_start3A_114 = arith.constant 0 : i32
      %dma_start3A_115 = arith.constant 0 : i32
      %dma_start3A_116 = tpu.memref_slice %arg4[%dma_start3A_114, %dma_start3A_115] : memref<1000000x32xf32, #tpu.memory_space<hbm>> -> memref<1000000x32xf32, #tpu.memory_space<hbm>>
      tpu.enqueue_indirect_dma source(%dma_start3A_116 : memref<1000000x32xf32, #tpu.memory_space<hbm>>) target(%dma_start3A_111 : memref<128x32xf32, #tpu.memory_space<vmem>>) offsets(%dma_start3A_113 : memref<128xi32, #tpu.memory_space<vmem>>) semaphore(%arg15 : memref<!tpu.dma_semaphore, #tpu.memory_space<semaphore_mem>>)
      %dma_start3A_117 = arith.constant 384 : i32
      %dma_start3A_118 = arith.constant 0 : i32
      %dma_start3A_119 = tpu.memref_slice %arg12[%dma_start3A_117, %dma_start3A_118] : memref<512x32xf32, #tpu.memory_space<vmem>> -> memref<128x32xf32, #tpu.memory_space<vmem>>
      %dma_start3A_120 = arith.constant 384 : i32
      %dma_start3A_121 = tpu.memref_slice %arg8[%dma_start3A_120] : memref<512xi32, #tpu.memory_space<vmem>> -> memref<128xi32, #tpu.memory_space<vmem>>
      %dma_start3A_122 = arith.constant 0 : i32
      %dma_start3A_123 = arith.constant 0 : i32
      %dma_start3A_124 = tpu.memref_slice %arg4[%dma_start3A_122, %dma_start3A_123] : memref<1000000x32xf32, #tpu.memory_space<hbm>> -> memref<1000000x32xf32, #tpu.memory_space<hbm>>
      tpu.enqueue_indirect_dma source(%dma_start3A_124 : memref<1000000x32xf32, #tpu.memory_space<hbm>>) target(%dma_start3A_119 : memref<128x32xf32, #tpu.memory_space<vmem>>) offsets(%dma_start3A_121 : memref<128xi32, #tpu.memory_space<vmem>>) semaphore(%arg15 : memref<!tpu.dma_semaphore, #tpu.memory_space<semaphore_mem>>)
      %dma_start3A_125 = arith.constant 384 : i32
      %dma_start3A_126 = arith.constant 0 : i32
      %dma_start3A_127 = tpu.memref_slice %arg13[%dma_start3A_125, %dma_start3A_126] : memref<512x16xf32, #tpu.memory_space<vmem>> -> memref<128x16xf32, #tpu.memory_space<vmem>>
      %dma_start3A_128 = arith.constant 384 : i32
      %dma_start3A_129 = tpu.memref_slice %arg9[%dma_start3A_128] : memref<512xi32, #tpu.memory_space<vmem>> -> memref<128xi32, #tpu.memory_space<vmem>>
      %dma_start3A_130 = arith.constant 0 : i32
      %dma_start3A_131 = arith.constant 0 : i32
      %dma_start3A_132 = tpu.memref_slice %arg5[%dma_start3A_130, %dma_start3A_131] : memref<100000x16xf32, #tpu.memory_space<hbm>> -> memref<100000x16xf32, #tpu.memory_space<hbm>>
      tpu.enqueue_indirect_dma source(%dma_start3A_132 : memref<100000x16xf32, #tpu.memory_space<hbm>>) target(%dma_start3A_127 : memref<128x16xf32, #tpu.memory_space<vmem>>) offsets(%dma_start3A_129 : memref<128xi32, #tpu.memory_space<vmem>>) semaphore(%arg16 : memref<!tpu.dma_semaphore, #tpu.memory_space<semaphore_mem>>)
      %dma_start3A_133 = arith.constant 384 : i32
      %dma_start3A_134 = arith.constant 0 : i32
      %dma_start3A_135 = tpu.memref_slice %arg14[%dma_start3A_133, %dma_start3A_134] : memref<512x16xf32, #tpu.memory_space<vmem>> -> memref<128x16xf32, #tpu.memory_space<vmem>>
      %dma_start3A_136 = arith.constant 384 : i32
      %dma_start3A_137 = tpu.memref_slice %arg10[%dma_start3A_136] : memref<512xi32, #tpu.memory_space<vmem>> -> memref<128xi32, #tpu.memory_space<vmem>>
      %dma_start3A_138 = arith.constant 0 : i32
      %dma_start3A_139 = arith.constant 0 : i32
      %dma_start3A_140 = tpu.memref_slice %arg5[%dma_start3A_138, %dma_start3A_139] : memref<100000x16xf32, #tpu.memory_space<hbm>> -> memref<100000x16xf32, #tpu.memory_space<hbm>>
      tpu.enqueue_indirect_dma source(%dma_start3A_140 : memref<100000x16xf32, #tpu.memory_space<hbm>>) target(%dma_start3A_135 : memref<128x16xf32, #tpu.memory_space<vmem>>) offsets(%dma_start3A_137 : memref<128xi32, #tpu.memory_space<vmem>>) semaphore(%arg16 : memref<!tpu.dma_semaphore, #tpu.memory_space<semaphore_mem>>)
      %dma_wait3A = arith.constant 0 : i32
      %dma_wait3A_141 = arith.constant 0 : i32
      %dma_wait3A_142 = tpu.memref_slice %arg11[%dma_wait3A, %dma_wait3A_141] : memref<512x32xf32, #tpu.memory_space<vmem>> -> memref<128x32xf32, #tpu.memory_space<vmem>>
      %dma_wait3A_143 = arith.constant 0 : i32
      %dma_wait3A_144 = tpu.memref_slice %arg7[%dma_wait3A_143] : memref<512xi32, #tpu.memory_space<vmem>> -> memref<128xi32, #tpu.memory_space<vmem>>
      %dma_wait3A_145 = arith.constant 0 : i32
      %dma_wait3A_146 = arith.constant 0 : i32
      %dma_wait3A_147 = tpu.memref_slice %arg4[%dma_wait3A_145, %dma_wait3A_146] : memref<1000000x32xf32, #tpu.memory_space<hbm>> -> memref<1000000x32xf32, #tpu.memory_space<hbm>>
      tpu.wait_indirect_dma semaphore(%arg15 : memref<!tpu.dma_semaphore, #tpu.memory_space<semaphore_mem>>) src(%dma_wait3A_147 : memref<1000000x32xf32, #tpu.memory_space<hbm>>) dst(%dma_wait3A_142 : memref<128x32xf32, #tpu.memory_space<vmem>>)
      %dma_wait3A_148 = arith.constant 0 : i32
      %dma_wait3A_149 = arith.constant 0 : i32
      %dma_wait3A_150 = tpu.memref_slice %arg12[%dma_wait3A_148, %dma_wait3A_149] : memref<512x32xf32, #tpu.memory_space<vmem>> -> memref<128x32xf32, #tpu.memory_space<vmem>>
      %dma_wait3A_151 = arith.constant 0 : i32
      %dma_wait3A_152 = tpu.memref_slice %arg8[%dma_wait3A_151] : memref<512xi32, #tpu.memory_space<vmem>> -> memref<128xi32, #tpu.memory_space<vmem>>
      %dma_wait3A_153 = arith.constant 0 : i32
      %dma_wait3A_154 = arith.constant 0 : i32
      %dma_wait3A_155 = tpu.memref_slice %arg4[%dma_wait3A_153, %dma_wait3A_154] : memref<1000000x32xf32, #tpu.memory_space<hbm>> -> memref<1000000x32xf32, #tpu.memory_space<hbm>>
      tpu.wait_indirect_dma semaphore(%arg15 : memref<!tpu.dma_semaphore, #tpu.memory_space<semaphore_mem>>) src(%dma_wait3A_155 : memref<1000000x32xf32, #tpu.memory_space<hbm>>) dst(%dma_wait3A_150 : memref<128x32xf32, #tpu.memory_space<vmem>>)
      %dma_wait3A_156 = arith.constant 0 : i32
      %dma_wait3A_157 = arith.constant 0 : i32
      %dma_wait3A_158 = tpu.memref_slice %arg13[%dma_wait3A_156, %dma_wait3A_157] : memref<512x16xf32, #tpu.memory_space<vmem>> -> memref<128x16xf32, #tpu.memory_space<vmem>>
      %dma_wait3A_159 = arith.constant 0 : i32
      %dma_wait3A_160 = tpu.memref_slice %arg9[%dma_wait3A_159] : memref<512xi32, #tpu.memory_space<vmem>> -> memref<128xi32, #tpu.memory_space<vmem>>
      %dma_wait3A_161 = arith.constant 0 : i32
      %dma_wait3A_162 = arith.constant 0 : i32
      %dma_wait3A_163 = tpu.memref_slice %arg5[%dma_wait3A_161, %dma_wait3A_162] : memref<100000x16xf32, #tpu.memory_space<hbm>> -> memref<100000x16xf32, #tpu.memory_space<hbm>>
      tpu.wait_indirect_dma semaphore(%arg16 : memref<!tpu.dma_semaphore, #tpu.memory_space<semaphore_mem>>) src(%dma_wait3A_163 : memref<100000x16xf32, #tpu.memory_space<hbm>>) dst(%dma_wait3A_158 : memref<128x16xf32, #tpu.memory_space<vmem>>)
      %dma_wait3A_164 = arith.constant 0 : i32
      %dma_wait3A_165 = arith.constant 0 : i32
      %dma_wait3A_166 = tpu.memref_slice %arg14[%dma_wait3A_164, %dma_wait3A_165] : memref<512x16xf32, #tpu.memory_space<vmem>> -> memref<128x16xf32, #tpu.memory_space<vmem>>
      %dma_wait3A_167 = arith.constant 0 : i32
      %dma_wait3A_168 = tpu.memref_slice %arg10[%dma_wait3A_167] : memref<512xi32, #tpu.memory_space<vmem>> -> memref<128xi32, #tpu.memory_space<vmem>>
      %dma_wait3A_169 = arith.constant 0 : i32
      %dma_wait3A_170 = arith.constant 0 : i32
      %dma_wait3A_171 = tpu.memref_slice %arg5[%dma_wait3A_169, %dma_wait3A_170] : memref<100000x16xf32, #tpu.memory_space<hbm>> -> memref<100000x16xf32, #tpu.memory_space<hbm>>
      tpu.wait_indirect_dma semaphore(%arg16 : memref<!tpu.dma_semaphore, #tpu.memory_space<semaphore_mem>>) src(%dma_wait3A_171 : memref<100000x16xf32, #tpu.memory_space<hbm>>) dst(%dma_wait3A_166 : memref<128x16xf32, #tpu.memory_space<vmem>>)
      %dma_wait3A_172 = arith.constant 128 : i32
      %dma_wait3A_173 = arith.constant 0 : i32
      %dma_wait3A_174 = tpu.memref_slice %arg11[%dma_wait3A_172, %dma_wait3A_173] : memref<512x32xf32, #tpu.memory_space<vmem>> -> memref<128x32xf32, #tpu.memory_space<vmem>>
      %dma_wait3A_175 = arith.constant 128 : i32
      %dma_wait3A_176 = tpu.memref_slice %arg7[%dma_wait3A_175] : memref<512xi32, #tpu.memory_space<vmem>> -> memref<128xi32, #tpu.memory_space<vmem>>
      %dma_wait3A_177 = arith.constant 0 : i32
      %dma_wait3A_178 = arith.constant 0 : i32
      %dma_wait3A_179 = tpu.memref_slice %arg4[%dma_wait3A_177, %dma_wait3A_178] : memref<1000000x32xf32, #tpu.memory_space<hbm>> -> memref<1000000x32xf32, #tpu.memory_space<hbm>>
      tpu.wait_indirect_dma semaphore(%arg15 : memref<!tpu.dma_semaphore, #tpu.memory_space<semaphore_mem>>) src(%dma_wait3A_179 : memref<1000000x32xf32, #tpu.memory_space<hbm>>) dst(%dma_wait3A_174 : memref<128x32xf32, #tpu.memory_space<vmem>>)
      %dma_wait3A_180 = arith.constant 128 : i32
      %dma_wait3A_181 = arith.constant 0 : i32
      %dma_wait3A_182 = tpu.memref_slice %arg12[%dma_wait3A_180, %dma_wait3A_181] : memref<512x32xf32, #tpu.memory_space<vmem>> -> memref<128x32xf32, #tpu.memory_space<vmem>>
      %dma_wait3A_183 = arith.constant 128 : i32
      %dma_wait3A_184 = tpu.memref_slice %arg8[%dma_wait3A_183] : memref<512xi32, #tpu.memory_space<vmem>> -> memref<128xi32, #tpu.memory_space<vmem>>
      %dma_wait3A_185 = arith.constant 0 : i32
      %dma_wait3A_186 = arith.constant 0 : i32
      %dma_wait3A_187 = tpu.memref_slice %arg4[%dma_wait3A_185, %dma_wait3A_186] : memref<1000000x32xf32, #tpu.memory_space<hbm>> -> memref<1000000x32xf32, #tpu.memory_space<hbm>>
      tpu.wait_indirect_dma semaphore(%arg15 : memref<!tpu.dma_semaphore, #tpu.memory_space<semaphore_mem>>) src(%dma_wait3A_187 : memref<1000000x32xf32, #tpu.memory_space<hbm>>) dst(%dma_wait3A_182 : memref<128x32xf32, #tpu.memory_space<vmem>>)
      %dma_wait3A_188 = arith.constant 128 : i32
      %dma_wait3A_189 = arith.constant 0 : i32
      %dma_wait3A_190 = tpu.memref_slice %arg13[%dma_wait3A_188, %dma_wait3A_189] : memref<512x16xf32, #tpu.memory_space<vmem>> -> memref<128x16xf32, #tpu.memory_space<vmem>>
      %dma_wait3A_191 = arith.constant 128 : i32
      %dma_wait3A_192 = tpu.memref_slice %arg9[%dma_wait3A_191] : memref<512xi32, #tpu.memory_space<vmem>> -> memref<128xi32, #tpu.memory_space<vmem>>
      %dma_wait3A_193 = arith.constant 0 : i32
      %dma_wait3A_194 = arith.constant 0 : i32
      %dma_wait3A_195 = tpu.memref_slice %arg5[%dma_wait3A_193, %dma_wait3A_194] : memref<100000x16xf32, #tpu.memory_space<hbm>> -> memref<100000x16xf32, #tpu.memory_space<hbm>>
      tpu.wait_indirect_dma semaphore(%arg16 : memref<!tpu.dma_semaphore, #tpu.memory_space<semaphore_mem>>) src(%dma_wait3A_195 : memref<100000x16xf32, #tpu.memory_space<hbm>>) dst(%dma_wait3A_190 : memref<128x16xf32, #tpu.memory_space<vmem>>)
      %dma_wait3A_196 = arith.constant 128 : i32
      %dma_wait3A_197 = arith.constant 0 : i32
      %dma_wait3A_198 = tpu.memref_slice %arg14[%dma_wait3A_196, %dma_wait3A_197] : memref<512x16xf32, #tpu.memory_space<vmem>> -> memref<128x16xf32, #tpu.memory_space<vmem>>
      %dma_wait3A_199 = arith.constant 128 : i32
      %dma_wait3A_200 = tpu.memref_slice %arg10[%dma_wait3A_199] : memref<512xi32, #tpu.memory_space<vmem>> -> memref<128xi32, #tpu.memory_space<vmem>>
      %dma_wait3A_201 = arith.constant 0 : i32
      %dma_wait3A_202 = arith.constant 0 : i32
      %dma_wait3A_203 = tpu.memref_slice %arg5[%dma_wait3A_201, %dma_wait3A_202] : memref<100000x16xf32, #tpu.memory_space<hbm>> -> memref<100000x16xf32, #tpu.memory_space<hbm>>
      tpu.wait_indirect_dma semaphore(%arg16 : memref<!tpu.dma_semaphore, #tpu.memory_space<semaphore_mem>>) src(%dma_wait3A_203 : memref<100000x16xf32, #tpu.memory_space<hbm>>) dst(%dma_wait3A_198 : memref<128x16xf32, #tpu.memory_space<vmem>>)
      %dma_wait3A_204 = arith.constant 256 : i32
      %dma_wait3A_205 = arith.constant 0 : i32
      %dma_wait3A_206 = tpu.memref_slice %arg11[%dma_wait3A_204, %dma_wait3A_205] : memref<512x32xf32, #tpu.memory_space<vmem>> -> memref<128x32xf32, #tpu.memory_space<vmem>>
      %dma_wait3A_207 = arith.constant 256 : i32
      %dma_wait3A_208 = tpu.memref_slice %arg7[%dma_wait3A_207] : memref<512xi32, #tpu.memory_space<vmem>> -> memref<128xi32, #tpu.memory_space<vmem>>
      %dma_wait3A_209 = arith.constant 0 : i32
      %dma_wait3A_210 = arith.constant 0 : i32
      %dma_wait3A_211 = tpu.memref_slice %arg4[%dma_wait3A_209, %dma_wait3A_210] : memref<1000000x32xf32, #tpu.memory_space<hbm>> -> memref<1000000x32xf32, #tpu.memory_space<hbm>>
      tpu.wait_indirect_dma semaphore(%arg15 : memref<!tpu.dma_semaphore, #tpu.memory_space<semaphore_mem>>) src(%dma_wait3A_211 : memref<1000000x32xf32, #tpu.memory_space<hbm>>) dst(%dma_wait3A_206 : memref<128x32xf32, #tpu.memory_space<vmem>>)
      %dma_wait3A_212 = arith.constant 256 : i32
      %dma_wait3A_213 = arith.constant 0 : i32
      %dma_wait3A_214 = tpu.memref_slice %arg12[%dma_wait3A_212, %dma_wait3A_213] : memref<512x32xf32, #tpu.memory_space<vmem>> -> memref<128x32xf32, #tpu.memory_space<vmem>>
      %dma_wait3A_215 = arith.constant 256 : i32
      %dma_wait3A_216 = tpu.memref_slice %arg8[%dma_wait3A_215] : memref<512xi32, #tpu.memory_space<vmem>> -> memref<128xi32, #tpu.memory_space<vmem>>
      %dma_wait3A_217 = arith.constant 0 : i32
      %dma_wait3A_218 = arith.constant 0 : i32
      %dma_wait3A_219 = tpu.memref_slice %arg4[%dma_wait3A_217, %dma_wait3A_218] : memref<1000000x32xf32, #tpu.memory_space<hbm>> -> memref<1000000x32xf32, #tpu.memory_space<hbm>>
      tpu.wait_indirect_dma semaphore(%arg15 : memref<!tpu.dma_semaphore, #tpu.memory_space<semaphore_mem>>) src(%dma_wait3A_219 : memref<1000000x32xf32, #tpu.memory_space<hbm>>) dst(%dma_wait3A_214 : memref<128x32xf32, #tpu.memory_space<vmem>>)
      %dma_wait3A_220 = arith.constant 256 : i32
      %dma_wait3A_221 = arith.constant 0 : i32
      %dma_wait3A_222 = tpu.memref_slice %arg13[%dma_wait3A_220, %dma_wait3A_221] : memref<512x16xf32, #tpu.memory_space<vmem>> -> memref<128x16xf32, #tpu.memory_space<vmem>>
      %dma_wait3A_223 = arith.constant 256 : i32
      %dma_wait3A_224 = tpu.memref_slice %arg9[%dma_wait3A_223] : memref<512xi32, #tpu.memory_space<vmem>> -> memref<128xi32, #tpu.memory_space<vmem>>
      %dma_wait3A_225 = arith.constant 0 : i32
      %dma_wait3A_226 = arith.constant 0 : i32
      %dma_wait3A_227 = tpu.memref_slice %arg5[%dma_wait3A_225, %dma_wait3A_226] : memref<100000x16xf32, #tpu.memory_space<hbm>> -> memref<100000x16xf32, #tpu.memory_space<hbm>>
      tpu.wait_indirect_dma semaphore(%arg16 : memref<!tpu.dma_semaphore, #tpu.memory_space<semaphore_mem>>) src(%dma_wait3A_227 : memref<100000x16xf32, #tpu.memory_space<hbm>>) dst(%dma_wait3A_222 : memref<128x16xf32, #tpu.memory_space<vmem>>)
      %dma_wait3A_228 = arith.constant 256 : i32
      %dma_wait3A_229 = arith.constant 0 : i32
      %dma_wait3A_230 = tpu.memref_slice %arg14[%dma_wait3A_228, %dma_wait3A_229] : memref<512x16xf32, #tpu.memory_space<vmem>> -> memref<128x16xf32, #tpu.memory_space<vmem>>
      %dma_wait3A_231 = arith.constant 256 : i32
      %dma_wait3A_232 = tpu.memref_slice %arg10[%dma_wait3A_231] : memref<512xi32, #tpu.memory_space<vmem>> -> memref<128xi32, #tpu.memory_space<vmem>>
      %dma_wait3A_233 = arith.constant 0 : i32
      %dma_wait3A_234 = arith.constant 0 : i32
      %dma_wait3A_235 = tpu.memref_slice %arg5[%dma_wait3A_233, %dma_wait3A_234] : memref<100000x16xf32, #tpu.memory_space<hbm>> -> memref<100000x16xf32, #tpu.memory_space<hbm>>
      tpu.wait_indirect_dma semaphore(%arg16 : memref<!tpu.dma_semaphore, #tpu.memory_space<semaphore_mem>>) src(%dma_wait3A_235 : memref<100000x16xf32, #tpu.memory_space<hbm>>) dst(%dma_wait3A_230 : memref<128x16xf32, #tpu.memory_space<vmem>>)
      %dma_wait3A_236 = arith.constant 384 : i32
      %dma_wait3A_237 = arith.constant 0 : i32
      %dma_wait3A_238 = tpu.memref_slice %arg11[%dma_wait3A_236, %dma_wait3A_237] : memref<512x32xf32, #tpu.memory_space<vmem>> -> memref<128x32xf32, #tpu.memory_space<vmem>>
      %dma_wait3A_239 = arith.constant 384 : i32
      %dma_wait3A_240 = tpu.memref_slice %arg7[%dma_wait3A_239] : memref<512xi32, #tpu.memory_space<vmem>> -> memref<128xi32, #tpu.memory_space<vmem>>
      %dma_wait3A_241 = arith.constant 0 : i32
      %dma_wait3A_242 = arith.constant 0 : i32
      %dma_wait3A_243 = tpu.memref_slice %arg4[%dma_wait3A_241, %dma_wait3A_242] : memref<1000000x32xf32, #tpu.memory_space<hbm>> -> memref<1000000x32xf32, #tpu.memory_space<hbm>>
      tpu.wait_indirect_dma semaphore(%arg15 : memref<!tpu.dma_semaphore, #tpu.memory_space<semaphore_mem>>) src(%dma_wait3A_243 : memref<1000000x32xf32, #tpu.memory_space<hbm>>) dst(%dma_wait3A_238 : memref<128x32xf32, #tpu.memory_space<vmem>>)
      %dma_wait3A_244 = arith.constant 384 : i32
      %dma_wait3A_245 = arith.constant 0 : i32
      %dma_wait3A_246 = tpu.memref_slice %arg12[%dma_wait3A_244, %dma_wait3A_245] : memref<512x32xf32, #tpu.memory_space<vmem>> -> memref<128x32xf32, #tpu.memory_space<vmem>>
      %dma_wait3A_247 = arith.constant 384 : i32
      %dma_wait3A_248 = tpu.memref_slice %arg8[%dma_wait3A_247] : memref<512xi32, #tpu.memory_space<vmem>> -> memref<128xi32, #tpu.memory_space<vmem>>
      %dma_wait3A_249 = arith.constant 0 : i32
      %dma_wait3A_250 = arith.constant 0 : i32
      %dma_wait3A_251 = tpu.memref_slice %arg4[%dma_wait3A_249, %dma_wait3A_250] : memref<1000000x32xf32, #tpu.memory_space<hbm>> -> memref<1000000x32xf32, #tpu.memory_space<hbm>>
      tpu.wait_indirect_dma semaphore(%arg15 : memref<!tpu.dma_semaphore, #tpu.memory_space<semaphore_mem>>) src(%dma_wait3A_251 : memref<1000000x32xf32, #tpu.memory_space<hbm>>) dst(%dma_wait3A_246 : memref<128x32xf32, #tpu.memory_space<vmem>>)
      %dma_wait3A_252 = arith.constant 384 : i32
      %dma_wait3A_253 = arith.constant 0 : i32
      %dma_wait3A_254 = tpu.memref_slice %arg13[%dma_wait3A_252, %dma_wait3A_253] : memref<512x16xf32, #tpu.memory_space<vmem>> -> memref<128x16xf32, #tpu.memory_space<vmem>>
      %dma_wait3A_255 = arith.constant 384 : i32
      %dma_wait3A_256 = tpu.memref_slice %arg9[%dma_wait3A_255] : memref<512xi32, #tpu.memory_space<vmem>> -> memref<128xi32, #tpu.memory_space<vmem>>
      %dma_wait3A_257 = arith.constant 0 : i32
      %dma_wait3A_258 = arith.constant 0 : i32
      %dma_wait3A_259 = tpu.memref_slice %arg5[%dma_wait3A_257, %dma_wait3A_258] : memref<100000x16xf32, #tpu.memory_space<hbm>> -> memref<100000x16xf32, #tpu.memory_space<hbm>>
      tpu.wait_indirect_dma semaphore(%arg16 : memref<!tpu.dma_semaphore, #tpu.memory_space<semaphore_mem>>) src(%dma_wait3A_259 : memref<100000x16xf32, #tpu.memory_space<hbm>>) dst(%dma_wait3A_254 : memref<128x16xf32, #tpu.memory_space<vmem>>)
      %dma_wait3A_260 = arith.constant 384 : i32
      %dma_wait3A_261 = arith.constant 0 : i32
      %dma_wait3A_262 = tpu.memref_slice %arg14[%dma_wait3A_260, %dma_wait3A_261] : memref<512x16xf32, #tpu.memory_space<vmem>> -> memref<128x16xf32, #tpu.memory_space<vmem>>
      %dma_wait3A_263 = arith.constant 384 : i32
      %dma_wait3A_264 = tpu.memref_slice %arg10[%dma_wait3A_263] : memref<512xi32, #tpu.memory_space<vmem>> -> memref<128xi32, #tpu.memory_space<vmem>>
      %dma_wait3A_265 = arith.constant 0 : i32
      %dma_wait3A_266 = arith.constant 0 : i32
      %dma_wait3A_267 = tpu.memref_slice %arg5[%dma_wait3A_265, %dma_wait3A_266] : memref<100000x16xf32, #tpu.memory_space<hbm>> -> memref<100000x16xf32, #tpu.memory_space<hbm>>
      tpu.wait_indirect_dma semaphore(%arg16 : memref<!tpu.dma_semaphore, #tpu.memory_space<semaphore_mem>>) src(%dma_wait3A_267 : memref<100000x16xf32, #tpu.memory_space<hbm>>) dst(%dma_wait3A_262 : memref<128x16xf32, #tpu.memory_space<vmem>>)
      "tpu.region"() ({
        %run_scoped3A = tpu.sem_alloc : memref<!tpu.dma_semaphore, #tpu.memory_space<semaphore_mem>>
        %dma_start3A_268 = arith.constant 0 : i32
        %dma_start3A_269 = tpu.memref_slice %arg6[%multiple_of3A, %dma_start3A_268] : memref<409600x128xf32, #tpu.memory_space<hbm>> -> memref<512x32xf32, #tpu.memory_space<hbm>>
        %dma_start3A_270 = arith.constant 0 : i32
        %dma_start3A_271 = tpu.memref_slice %arg6[%multiple_of3A, %dma_start3A_270] : memref<409600x128xf32, #tpu.memory_space<hbm>> -> memref<512x32xf32, #tpu.memory_space<hbm>>
        tpu.enqueue_dma source(%arg11 : memref<512x32xf32, #tpu.memory_space<vmem>>) target(%dma_start3A_271 : memref<512x32xf32, #tpu.memory_space<hbm>>) target_semaphore(%run_scoped3A : memref<!tpu.dma_semaphore, #tpu.memory_space<semaphore_mem>>)
        %dma_wait3A_272 = arith.constant 0 : i32
        %dma_wait3A_273 = tpu.memref_slice %arg6[%multiple_of3A, %dma_wait3A_272] : memref<409600x128xf32, #tpu.memory_space<hbm>> -> memref<512x32xf32, #tpu.memory_space<hbm>>
        %dma_wait3A_274 = arith.constant 0 : i32
        %dma_wait3A_275 = tpu.memref_slice %arg6[%multiple_of3A, %dma_wait3A_274] : memref<409600x128xf32, #tpu.memory_space<hbm>> -> memref<512x32xf32, #tpu.memory_space<hbm>>
        tpu.wait_dma2 semaphore(%run_scoped3A : memref<!tpu.dma_semaphore, #tpu.memory_space<semaphore_mem>>) src(%arg11 : memref<512x32xf32, #tpu.memory_space<vmem>>) dst(%dma_wait3A_275 : memref<512x32xf32, #tpu.memory_space<hbm>>)
        tpu.yield
      }) : () -> ()
      "tpu.region"() ({
        %run_scoped3A = tpu.sem_alloc : memref<!tpu.dma_semaphore, #tpu.memory_space<semaphore_mem>>
        %dma_start3A_268 = arith.constant 32 : i32
        %dma_start3A_269 = tpu.memref_slice %arg6[%multiple_of3A, %dma_start3A_268] : memref<409600x128xf32, #tpu.memory_space<hbm>> -> memref<512x16xf32, #tpu.memory_space<hbm>>
        %dma_start3A_270 = arith.constant 32 : i32
        %dma_start3A_271 = tpu.memref_slice %arg6[%multiple_of3A, %dma_start3A_270] : memref<409600x128xf32, #tpu.memory_space<hbm>> -> memref<512x16xf32, #tpu.memory_space<hbm>>
        tpu.enqueue_dma source(%arg13 : memref<512x16xf32, #tpu.memory_space<vmem>>) target(%dma_start3A_271 : memref<512x16xf32, #tpu.memory_space<hbm>>) target_semaphore(%run_scoped3A : memref<!tpu.dma_semaphore, #tpu.memory_space<semaphore_mem>>)
        %dma_wait3A_272 = arith.constant 32 : i32
        %dma_wait3A_273 = tpu.memref_slice %arg6[%multiple_of3A, %dma_wait3A_272] : memref<409600x128xf32, #tpu.memory_space<hbm>> -> memref<512x16xf32, #tpu.memory_space<hbm>>
        %dma_wait3A_274 = arith.constant 32 : i32
        %dma_wait3A_275 = tpu.memref_slice %arg6[%multiple_of3A, %dma_wait3A_274] : memref<409600x128xf32, #tpu.memory_space<hbm>> -> memref<512x16xf32, #tpu.memory_space<hbm>>
        tpu.wait_dma2 semaphore(%run_scoped3A : memref<!tpu.dma_semaphore, #tpu.memory_space<semaphore_mem>>) src(%arg13 : memref<512x16xf32, #tpu.memory_space<vmem>>) dst(%dma_wait3A_275 : memref<512x16xf32, #tpu.memory_space<hbm>>)
        tpu.yield
      }) : () -> ()
      "tpu.region"() ({
        %run_scoped3A = tpu.sem_alloc : memref<!tpu.dma_semaphore, #tpu.memory_space<semaphore_mem>>
        %dma_start3A_268 = arith.constant 64 : i32
        %dma_start3A_269 = tpu.memref_slice %arg6[%multiple_of3A, %dma_start3A_268] : memref<409600x128xf32, #tpu.memory_space<hbm>> -> memref<512x32xf32, #tpu.memory_space<hbm>>
        %dma_start3A_270 = arith.constant 64 : i32
        %dma_start3A_271 = tpu.memref_slice %arg6[%multiple_of3A, %dma_start3A_270] : memref<409600x128xf32, #tpu.memory_space<hbm>> -> memref<512x32xf32, #tpu.memory_space<hbm>>
        tpu.enqueue_dma source(%arg12 : memref<512x32xf32, #tpu.memory_space<vmem>>) target(%dma_start3A_271 : memref<512x32xf32, #tpu.memory_space<hbm>>) target_semaphore(%run_scoped3A : memref<!tpu.dma_semaphore, #tpu.memory_space<semaphore_mem>>)
        %dma_wait3A_272 = arith.constant 64 : i32
        %dma_wait3A_273 = tpu.memref_slice %arg6[%multiple_of3A, %dma_wait3A_272] : memref<409600x128xf32, #tpu.memory_space<hbm>> -> memref<512x32xf32, #tpu.memory_space<hbm>>
        %dma_wait3A_274 = arith.constant 64 : i32
        %dma_wait3A_275 = tpu.memref_slice %arg6[%multiple_of3A, %dma_wait3A_274] : memref<409600x128xf32, #tpu.memory_space<hbm>> -> memref<512x32xf32, #tpu.memory_space<hbm>>
        tpu.wait_dma2 semaphore(%run_scoped3A : memref<!tpu.dma_semaphore, #tpu.memory_space<semaphore_mem>>) src(%arg12 : memref<512x32xf32, #tpu.memory_space<vmem>>) dst(%dma_wait3A_275 : memref<512x32xf32, #tpu.memory_space<hbm>>)
        tpu.yield
      }) : () -> ()
      "tpu.region"() ({
        %run_scoped3A = tpu.sem_alloc : memref<!tpu.dma_semaphore, #tpu.memory_space<semaphore_mem>>
        %dma_start3A_268 = arith.constant 96 : i32
        %dma_start3A_269 = tpu.memref_slice %arg6[%multiple_of3A, %dma_start3A_268] : memref<409600x128xf32, #tpu.memory_space<hbm>> -> memref<512x16xf32, #tpu.memory_space<hbm>>
        %dma_start3A_270 = arith.constant 96 : i32
        %dma_start3A_271 = tpu.memref_slice %arg6[%multiple_of3A, %dma_start3A_270] : memref<409600x128xf32, #tpu.memory_space<hbm>> -> memref<512x16xf32, #tpu.memory_space<hbm>>
        tpu.enqueue_dma source(%arg14 : memref<512x16xf32, #tpu.memory_space<vmem>>) target(%dma_start3A_271 : memref<512x16xf32, #tpu.memory_space<hbm>>) target_semaphore(%run_scoped3A : memref<!tpu.dma_semaphore, #tpu.memory_space<semaphore_mem>>)
        %dma_wait3A_272 = arith.constant 96 : i32
        %dma_wait3A_273 = tpu.memref_slice %arg6[%multiple_of3A, %dma_wait3A_272] : memref<409600x128xf32, #tpu.memory_space<hbm>> -> memref<512x16xf32, #tpu.memory_space<hbm>>
        %dma_wait3A_274 = arith.constant 96 : i32
        %dma_wait3A_275 = tpu.memref_slice %arg6[%multiple_of3A, %dma_wait3A_274] : memref<409600x128xf32, #tpu.memory_space<hbm>> -> memref<512x16xf32, #tpu.memory_space<hbm>>
        tpu.wait_dma2 semaphore(%run_scoped3A : memref<!tpu.dma_semaphore, #tpu.memory_space<semaphore_mem>>) src(%arg14 : memref<512x16xf32, #tpu.memory_space<vmem>>) dst(%dma_wait3A_275 : memref<512x16xf32, #tpu.memory_space<hbm>>)
        tpu.yield
      }) : () -> ()
    }
    %scan3A_5 = arith.constant 25 : i32
    return
  }
}

module attributes {stable_mosaic.version = 14 : i64} {
  func.func @_dense_body(%arg0: i32, %arg1: memref<4096x128xf32, #tpu.memory_space<vmem>>, %arg2: memref<3x4096xf32, #tpu.memory_space<vmem>>, %arg3: memref<3x4096xf32, #tpu.memory_space<vmem>>, %arg4: memref<128x256xf32, #tpu.memory_space<vmem>>, %arg5: memref<32x256xf32, #tpu.memory_space<vmem>>, %arg6: memref<32x8xf32, #tpu.memory_space<vmem>>, %arg7: memref<128x8xf32, #tpu.memory_space<vmem>>, %arg8: memref<256x8xf32, #tpu.memory_space<vmem>>, %arg9: memref<8x256xf32, #tpu.memory_space<vmem>>, %arg10: memref<8x256xf32, #tpu.memory_space<vmem>>, %arg11: memref<1x256xf32, #tpu.memory_space<vmem>>, %arg12: memref<2x4096x128xf32, #tpu.memory_space<vmem>>) attributes {dimension_semantics = [#tpu.dimension_semantics<arbitrary>], iteration_bounds = array<i64: 100>, scalar_prefetch = 0 : i64, scratch_operands = 0 : i64, tpu.core_type = #tpu.core_type<tc>, window_params = [{transform_indices = @transform_0, window_bounds = array<i64: 4096, 128>}, {transform_indices = @transform_1, window_bounds = array<i64: 3, 4096>}, {transform_indices = @transform_2, window_bounds = array<i64: 3, 4096>}, {pipeline_mode = #tpu.pipeline_mode<synchronous>, transform_indices = @transform_3, window_bounds = array<i64: 128, 256>}, {pipeline_mode = #tpu.pipeline_mode<synchronous>, transform_indices = @transform_4, window_bounds = array<i64: 32, 256>}, {pipeline_mode = #tpu.pipeline_mode<synchronous>, transform_indices = @transform_5, window_bounds = array<i64: 32, 8>}, {pipeline_mode = #tpu.pipeline_mode<synchronous>, transform_indices = @transform_6, window_bounds = array<i64: 128, 8>}, {pipeline_mode = #tpu.pipeline_mode<synchronous>, transform_indices = @transform_7, window_bounds = array<i64: 256, 8>}, {pipeline_mode = #tpu.pipeline_mode<synchronous>, transform_indices = @transform_8, window_bounds = array<i64: 8, 256>}, {pipeline_mode = #tpu.pipeline_mode<synchronous>, transform_indices = @transform_9, window_bounds = array<i64: 8, 256>}, {pipeline_mode = #tpu.pipeline_mode<synchronous>, transform_indices = @transform_10, window_bounds = array<i64: 1, 256>}, {transform_indices = @transform_11, window_bounds = array<i64: 2, 4096, 128>}]} {
    %get3A = arith.constant 0 : index
    %get3A_0 = arith.constant 0 : index
    %get3A_1 = vector.load %arg1[%get3A, %get3A_0] : memref<4096x128xf32, #tpu.memory_space<vmem>>, vector<4096x128xf32>
    %iota3A = tpu.iota {dimensions = array<i32: 1>} : vector<1x128xi32>
    %lt3A = arith.constant 48 : i32
    %lt3A_2 = vector.broadcast %lt3A : i32 to vector<1x128xi32>
    %lt3A_3 = arith.cmpi slt, %iota3A, %lt3A_2 : vector<1x128xi32>
    %ge3A = arith.constant 64 : i32
    %ge3A_4 = vector.broadcast %ge3A : i32 to vector<1x128xi32>
    %ge3A_5 = arith.cmpi sge, %iota3A, %ge3A_4 : vector<1x128xi32>
    %lt3A_6 = arith.constant 112 : i32
    %lt3A_7 = vector.broadcast %lt3A_6 : i32 to vector<1x128xi32>
    %lt3A_8 = arith.cmpi slt, %iota3A, %lt3A_7 : vector<1x128xi32>
    %and3A = arith.andi %ge3A_5, %lt3A_8 : vector<1x128xi1>
    %or3A = arith.ori %lt3A_3, %and3A : vector<1x128xi1>
    %jit3A = arith.constant 0.000000e+00 : f32
    %broadcast_in_dim3A = vector.shape_cast %or3A : vector<1x128xi1> to vector<1x128xi1>
    %broadcast_in_dim3A_9 = vector.broadcast %broadcast_in_dim3A : vector<1x128xi1> to vector<4096x128xi1>
    %broadcast_in_dim3A_10 = vector.broadcast %jit3A : f32 to vector<4096x128xf32>
    %select_n3A = arith.select %broadcast_in_dim3A_9, %get3A_1, %broadcast_in_dim3A_10 : vector<4096x128xi1>, vector<4096x128xf32>
    %broadcast_in_dim3A_11 = arith.constant 0.000000e+00 : f32
    %broadcast_in_dim3A_12 = vector.broadcast %broadcast_in_dim3A_11 : f32 to vector<5x4096xf32>
    %get3A_13 = arith.constant 0 : index
    %get3A_14 = arith.constant 0 : index
    %get3A_15 = vector.load %arg2[%get3A_13, %get3A_14] : memref<3x4096xf32, #tpu.memory_space<vmem>>, vector<3x4096xf32>
    %max3A = arith.constant 0.000000e+00 : f32
    %max3A_16 = vector.broadcast %max3A : f32 to vector<3x4096xf32>
    %max3A_17 = arith.maximumf %get3A_15, %max3A_16 : vector<3x4096xf32>
    %log1p3A = math.log1p %max3A_17 : vector<3x4096xf32>
    %concatenate3A = tpu.concatenate %log1p3A, %broadcast_in_dim3A_12 in 0 : vector<3x4096xf32>, vector<5x4096xf32> -> vector<8x4096xf32>
    %get3A_18 = arith.constant 0 : index
    %get3A_19 = arith.constant 0 : index
    %get3A_20 = vector.load %arg3[%get3A_18, %get3A_19] : memref<3x4096xf32, #tpu.memory_space<vmem>>, vector<3x4096xf32>
    %max3A_21 = arith.constant 0.000000e+00 : f32
    %max3A_22 = vector.broadcast %max3A_21 : f32 to vector<3x4096xf32>
    %max3A_23 = arith.maximumf %get3A_20, %max3A_22 : vector<3x4096xf32>
    %log1p3A_24 = math.log1p %max3A_23 : vector<3x4096xf32>
    %concatenate3A_25 = tpu.concatenate %log1p3A_24, %broadcast_in_dim3A_12 in 0 : vector<3x4096xf32>, vector<5x4096xf32> -> vector<8x4096xf32>
    %get3A_26 = arith.constant 0 : index
    %get3A_27 = arith.constant 0 : index
    %get3A_28 = vector.load %arg7[%get3A_26, %get3A_27] : memref<128x8xf32, #tpu.memory_space<vmem>>, vector<128x8xf32>
    %dot_general3A = arith.constant dense<0.000000e+00> : vector<4096x8xf32>
    %dot_general3A_29 = tpu.matmul %select_n3A, %get3A_28, %dot_general3A {dimension_numbers = #tpu.dot_dimension_numbers<[1], [0], [0], [1], [0, 0, 1, 1], [], []>, transpose_lhs_hint = false} : vector<4096x128xf32>, vector<128x8xf32>, vector<4096x8xf32> -> vector<4096x8xf32>
    %mul3A = arith.mulf %select_n3A, %select_n3A : vector<4096x128xf32>
    %dot_general3A_30 = arith.constant dense<0.000000e+00> : vector<4096x8xf32>
    %dot_general3A_31 = tpu.matmul %mul3A, %get3A_28, %dot_general3A_30 {dimension_numbers = #tpu.dot_dimension_numbers<[1], [0], [0], [1], [0, 0, 1, 1], [], []>, transpose_lhs_hint = false} : vector<4096x128xf32>, vector<128x8xf32>, vector<4096x8xf32> -> vector<4096x8xf32>
    %mul3A_32 = arith.mulf %concatenate3A, %concatenate3A : vector<8x4096xf32>
    %mul3A_33 = arith.mulf %concatenate3A_25, %concatenate3A_25 : vector<8x4096xf32>
    %concatenate3A_34 = tpu.concatenate %concatenate3A, %concatenate3A_25, %mul3A_32, %mul3A_33 in 0 : vector<8x4096xf32>, vector<8x4096xf32>, vector<8x4096xf32>, vector<8x4096xf32> -> vector<32x4096xf32>
    %get3A_35 = arith.constant 0 : index
    %get3A_36 = arith.constant 0 : index
    %get3A_37 = vector.load %arg6[%get3A_35, %get3A_36] : memref<32x8xf32, #tpu.memory_space<vmem>>, vector<32x8xf32>
    %dot_general3A_38 = arith.constant dense<0.000000e+00> : vector<4096x8xf32>
    %dot_general3A_39 = tpu.matmul %concatenate3A_34, %get3A_37, %dot_general3A_38 {dimension_numbers = #tpu.dot_dimension_numbers<[0], [0], [1], [1], [0, 1, 1, 1], [], []>, transpose_lhs_hint = false} : vector<32x4096xf32>, vector<32x8xf32>, vector<4096x8xf32> -> vector<4096x8xf32>
    %slice3A = vector.extract_strided_slice %dot_general3A_29 {offsets = [0, 0], sizes = [4096, 1], strides = [1, 1]} : vector<4096x8xf32> to vector<4096x1xf32>
    %slice3A_40 = vector.extract_strided_slice %dot_general3A_39 {offsets = [0, 0], sizes = [4096, 1], strides = [1, 1]} : vector<4096x8xf32> to vector<4096x1xf32>
    %add3A = arith.addf %slice3A, %slice3A_40 : vector<4096x1xf32>
    %mul3A_41 = arith.constant 0.0196078438 : f32
    %mul3A_42 = vector.broadcast %mul3A_41 : f32 to vector<4096x1xf32>
    %mul3A_43 = arith.mulf %add3A, %mul3A_42 : vector<4096x1xf32>
    %slice3A_44 = vector.extract_strided_slice %dot_general3A_29 {offsets = [0, 1], sizes = [4096, 1], strides = [1, 1]} : vector<4096x8xf32> to vector<4096x1xf32>
    %slice3A_45 = vector.extract_strided_slice %dot_general3A_39 {offsets = [0, 1], sizes = [4096, 1], strides = [1, 1]} : vector<4096x8xf32> to vector<4096x1xf32>
    %add3A_46 = arith.addf %slice3A_44, %slice3A_45 : vector<4096x1xf32>
    %mul3A_47 = arith.constant 0.0196078438 : f32
    %mul3A_48 = vector.broadcast %mul3A_47 : f32 to vector<4096x1xf32>
    %mul3A_49 = arith.mulf %add3A_46, %mul3A_48 : vector<4096x1xf32>
    %slice3A_50 = vector.extract_strided_slice %dot_general3A_31 {offsets = [0, 0], sizes = [4096, 1], strides = [1, 1]} : vector<4096x8xf32> to vector<4096x1xf32>
    %slice3A_51 = vector.extract_strided_slice %dot_general3A_39 {offsets = [0, 2], sizes = [4096, 1], strides = [1, 1]} : vector<4096x8xf32> to vector<4096x1xf32>
    %add3A_52 = arith.addf %slice3A_50, %slice3A_51 : vector<4096x1xf32>
    %mul3A_53 = arith.constant 0.0196078438 : f32
    %mul3A_54 = vector.broadcast %mul3A_53 : f32 to vector<4096x1xf32>
    %mul3A_55 = arith.mulf %add3A_52, %mul3A_54 : vector<4096x1xf32>
    %mul3A_56 = arith.mulf %mul3A_43, %mul3A_43 : vector<4096x1xf32>
    %sub3A = arith.subf %mul3A_55, %mul3A_56 : vector<4096x1xf32>
    %slice3A_57 = vector.extract_strided_slice %dot_general3A_31 {offsets = [0, 1], sizes = [4096, 1], strides = [1, 1]} : vector<4096x8xf32> to vector<4096x1xf32>
    %slice3A_58 = vector.extract_strided_slice %dot_general3A_39 {offsets = [0, 3], sizes = [4096, 1], strides = [1, 1]} : vector<4096x8xf32> to vector<4096x1xf32>
    %add3A_59 = arith.addf %slice3A_57, %slice3A_58 : vector<4096x1xf32>
    %mul3A_60 = arith.constant 0.0196078438 : f32
    %mul3A_61 = vector.broadcast %mul3A_60 : f32 to vector<4096x1xf32>
    %mul3A_62 = arith.mulf %add3A_59, %mul3A_61 : vector<4096x1xf32>
    %mul3A_63 = arith.mulf %mul3A_49, %mul3A_49 : vector<4096x1xf32>
    %sub3A_64 = arith.subf %mul3A_62, %mul3A_63 : vector<4096x1xf32>
    %max3A_65 = arith.constant 0.000000e+00 : f32
    %max3A_66 = vector.broadcast %max3A_65 : f32 to vector<4096x1xf32>
    %max3A_67 = arith.maximumf %sub3A, %max3A_66 : vector<4096x1xf32>
    %add3A_68 = arith.constant 9.99999974E-6 : f32
    %add3A_69 = vector.broadcast %add3A_68 : f32 to vector<4096x1xf32>
    %add3A_70 = arith.addf %max3A_67, %add3A_69 : vector<4096x1xf32>
    %rsqrt3A = math.rsqrt %add3A_70 : vector<4096x1xf32>
    %max3A_71 = arith.constant 0.000000e+00 : f32
    %max3A_72 = vector.broadcast %max3A_71 : f32 to vector<4096x1xf32>
    %max3A_73 = arith.maximumf %sub3A_64, %max3A_72 : vector<4096x1xf32>
    %add3A_74 = arith.constant 9.99999974E-6 : f32
    %add3A_75 = vector.broadcast %add3A_74 : f32 to vector<4096x1xf32>
    %add3A_76 = arith.addf %max3A_73, %add3A_75 : vector<4096x1xf32>
    %rsqrt3A_77 = math.rsqrt %add3A_76 : vector<4096x1xf32>
    %get3A_78 = arith.constant 0 : index
    %get3A_79 = arith.constant 0 : index
    %get3A_80 = vector.load %arg4[%get3A_78, %get3A_79] : memref<128x256xf32, #tpu.memory_space<vmem>>, vector<128x256xf32>
    %dot_general3A_81 = arith.constant dense<0.000000e+00> : vector<4096x256xf32>
    %dot_general3A_82 = tpu.matmul %select_n3A, %get3A_80, %dot_general3A_81 {dimension_numbers = #tpu.dot_dimension_numbers<[1], [0], [0], [1], [0, 0, 1, 1], [], []>, transpose_lhs_hint = false} : vector<4096x128xf32>, vector<128x256xf32>, vector<4096x256xf32> -> vector<4096x256xf32>
    %get3A_83 = arith.constant 0 : index
    %get3A_84 = arith.constant 0 : index
    %get3A_85 = vector.load %arg5[%get3A_83, %get3A_84] : memref<32x256xf32, #tpu.memory_space<vmem>>, vector<32x256xf32>
    %dot_general3A_86 = arith.constant dense<0.000000e+00> : vector<4096x256xf32>
    %dot_general3A_87 = tpu.matmul %concatenate3A_34, %get3A_85, %dot_general3A_86 {dimension_numbers = #tpu.dot_dimension_numbers<[0], [0], [1], [1], [0, 1, 1, 1], [], []>, transpose_lhs_hint = false} : vector<32x4096xf32>, vector<32x256xf32>, vector<4096x256xf32> -> vector<4096x256xf32>
    %add3A_88 = arith.addf %dot_general3A_82, %dot_general3A_87 : vector<4096x256xf32>
    %broadcast_in_dim3A_89 = arith.constant 1.000000e+00 : f32
    %broadcast_in_dim3A_90 = vector.broadcast %broadcast_in_dim3A_89 : f32 to vector<4096x1xf32>
    %broadcast_in_dim3A_91 = arith.constant 0.000000e+00 : f32
    %broadcast_in_dim3A_92 = vector.broadcast %broadcast_in_dim3A_91 : f32 to vector<4096x5xf32>
    %mul3A_93 = arith.mulf %mul3A_43, %rsqrt3A : vector<4096x1xf32>
    %mul3A_94 = arith.mulf %mul3A_49, %rsqrt3A_77 : vector<4096x1xf32>
    %concatenate3A_95 = tpu.concatenate %mul3A_93, %mul3A_94, %broadcast_in_dim3A_90, %broadcast_in_dim3A_92 in 1 : vector<4096x1xf32>, vector<4096x1xf32>, vector<4096x1xf32>, vector<4096x5xf32> -> vector<4096x8xf32>
    %get3A_96 = arith.constant 0 : index
    %get3A_97 = arith.constant 0 : index
    %get3A_98 = vector.load %arg9[%get3A_96, %get3A_97] : memref<8x256xf32, #tpu.memory_space<vmem>>, vector<8x256xf32>
    %dot_general3A_99 = arith.constant dense<0.000000e+00> : vector<4096x256xf32>
    %dot_general3A_100 = tpu.matmul %concatenate3A_95, %get3A_98, %dot_general3A_99 {dimension_numbers = #tpu.dot_dimension_numbers<[1], [0], [0], [1], [0, 0, 1, 1], [], []>, transpose_lhs_hint = false} : vector<4096x8xf32>, vector<8x256xf32>, vector<4096x256xf32> -> vector<4096x256xf32>
    %slice3A_101 = vector.extract_strided_slice %add3A_88 {offsets = [0, 0], sizes = [4096, 128], strides = [1, 1]} : vector<4096x256xf32> to vector<4096x128xf32>
    %mul3A_102 = vector.broadcast %rsqrt3A : vector<4096x1xf32> to vector<4096x128xf32>
    %mul3A_103 = arith.mulf %slice3A_101, %mul3A_102 : vector<4096x128xf32>
    %slice3A_104 = vector.extract_strided_slice %dot_general3A_100 {offsets = [0, 0], sizes = [4096, 128], strides = [1, 1]} : vector<4096x256xf32> to vector<4096x128xf32>
    %add3A_105 = arith.addf %mul3A_103, %slice3A_104 : vector<4096x128xf32>
    %slice3A_106 = vector.extract_strided_slice %add3A_88 {offsets = [0, 128], sizes = [4096, 128], strides = [1, 1]} : vector<4096x256xf32> to vector<4096x128xf32>
    %mul3A_107 = vector.broadcast %rsqrt3A_77 : vector<4096x1xf32> to vector<4096x128xf32>
    %mul3A_108 = arith.mulf %slice3A_106, %mul3A_107 : vector<4096x128xf32>
    %slice3A_109 = vector.extract_strided_slice %dot_general3A_100 {offsets = [0, 128], sizes = [4096, 128], strides = [1, 1]} : vector<4096x256xf32> to vector<4096x128xf32>
    %add3A_110 = arith.addf %mul3A_108, %slice3A_109 : vector<4096x128xf32>
    %concatenate3A_111 = tpu.concatenate %add3A_105, %add3A_110 in 1 : vector<4096x128xf32>, vector<4096x128xf32> -> vector<4096x256xf32>
    %mul3A_112 = arith.constant 5.000000e-01 : f32
    %mul3A_113 = vector.broadcast %mul3A_112 : f32 to vector<4096x256xf32>
    %mul3A_114 = arith.mulf %mul3A_113, %concatenate3A_111 : vector<4096x256xf32>
    %mul3A_115 = arith.constant 0.707106769 : f32
    %mul3A_116 = vector.broadcast %mul3A_115 : f32 to vector<4096x256xf32>
    %mul3A_117 = arith.mulf %concatenate3A_111, %mul3A_116 : vector<4096x256xf32>
    %erf3A = math.erf %mul3A_117 : vector<4096x256xf32>
    %add3A_118 = arith.constant 1.000000e+00 : f32
    %add3A_119 = vector.broadcast %add3A_118 : f32 to vector<4096x256xf32>
    %add3A_120 = arith.addf %add3A_119, %erf3A : vector<4096x256xf32>
    %mul3A_121 = arith.mulf %mul3A_114, %add3A_120 : vector<4096x256xf32>
    %get3A_122 = arith.constant 0 : index
    %get3A_123 = arith.constant 0 : index
    %get3A_124 = vector.load %arg8[%get3A_122, %get3A_123] : memref<256x8xf32, #tpu.memory_space<vmem>>, vector<256x8xf32>
    %dot_general3A_125 = arith.constant dense<0.000000e+00> : vector<4096x8xf32>
    %dot_general3A_126 = tpu.matmul %mul3A_121, %get3A_124, %dot_general3A_125 {dimension_numbers = #tpu.dot_dimension_numbers<[1], [0], [0], [1], [0, 0, 1, 1], [], []>, transpose_lhs_hint = false} : vector<4096x256xf32>, vector<256x8xf32>, vector<4096x8xf32> -> vector<4096x8xf32>
    %mul3A_127 = arith.mulf %mul3A_121, %mul3A_121 : vector<4096x256xf32>
    %dot_general3A_128 = arith.constant dense<0.000000e+00> : vector<4096x8xf32>
    %dot_general3A_129 = tpu.matmul %mul3A_127, %get3A_124, %dot_general3A_128 {dimension_numbers = #tpu.dot_dimension_numbers<[1], [0], [0], [1], [0, 0, 1, 1], [], []>, transpose_lhs_hint = false} : vector<4096x256xf32>, vector<256x8xf32>, vector<4096x8xf32> -> vector<4096x8xf32>
    %slice3A_130 = vector.extract_strided_slice %dot_general3A_126 {offsets = [0, 0], sizes = [4096, 1], strides = [1, 1]} : vector<4096x8xf32> to vector<4096x1xf32>
    %mul3A_131 = arith.constant 7.812500e-03 : f32
    %mul3A_132 = vector.broadcast %mul3A_131 : f32 to vector<4096x1xf32>
    %mul3A_133 = arith.mulf %slice3A_130, %mul3A_132 : vector<4096x1xf32>
    %slice3A_134 = vector.extract_strided_slice %dot_general3A_126 {offsets = [0, 1], sizes = [4096, 1], strides = [1, 1]} : vector<4096x8xf32> to vector<4096x1xf32>
    %mul3A_135 = arith.constant 7.812500e-03 : f32
    %mul3A_136 = vector.broadcast %mul3A_135 : f32 to vector<4096x1xf32>
    %mul3A_137 = arith.mulf %slice3A_134, %mul3A_136 : vector<4096x1xf32>
    %slice3A_138 = vector.extract_strided_slice %dot_general3A_129 {offsets = [0, 0], sizes = [4096, 1], strides = [1, 1]} : vector<4096x8xf32> to vector<4096x1xf32>
    %mul3A_139 = arith.constant 7.812500e-03 : f32
    %mul3A_140 = vector.broadcast %mul3A_139 : f32 to vector<4096x1xf32>
    %mul3A_141 = arith.mulf %slice3A_138, %mul3A_140 : vector<4096x1xf32>
    %mul3A_142 = arith.mulf %mul3A_133, %mul3A_133 : vector<4096x1xf32>
    %sub3A_143 = arith.subf %mul3A_141, %mul3A_142 : vector<4096x1xf32>
    %slice3A_144 = vector.extract_strided_slice %dot_general3A_129 {offsets = [0, 1], sizes = [4096, 1], strides = [1, 1]} : vector<4096x8xf32> to vector<4096x1xf32>
    %mul3A_145 = arith.constant 7.812500e-03 : f32
    %mul3A_146 = vector.broadcast %mul3A_145 : f32 to vector<4096x1xf32>
    %mul3A_147 = arith.mulf %slice3A_144, %mul3A_146 : vector<4096x1xf32>
    %mul3A_148 = arith.mulf %mul3A_137, %mul3A_137 : vector<4096x1xf32>
    %sub3A_149 = arith.subf %mul3A_147, %mul3A_148 : vector<4096x1xf32>
    %max3A_150 = arith.constant 0.000000e+00 : f32
    %max3A_151 = vector.broadcast %max3A_150 : f32 to vector<4096x1xf32>
    %max3A_152 = arith.maximumf %sub3A_143, %max3A_151 : vector<4096x1xf32>
    %add3A_153 = arith.constant 9.99999974E-6 : f32
    %add3A_154 = vector.broadcast %add3A_153 : f32 to vector<4096x1xf32>
    %add3A_155 = arith.addf %max3A_152, %add3A_154 : vector<4096x1xf32>
    %rsqrt3A_156 = math.rsqrt %add3A_155 : vector<4096x1xf32>
    %max3A_157 = arith.constant 0.000000e+00 : f32
    %max3A_158 = vector.broadcast %max3A_157 : f32 to vector<4096x1xf32>
    %max3A_159 = arith.maximumf %sub3A_149, %max3A_158 : vector<4096x1xf32>
    %add3A_160 = arith.constant 9.99999974E-6 : f32
    %add3A_161 = vector.broadcast %add3A_160 : f32 to vector<4096x1xf32>
    %add3A_162 = arith.addf %max3A_159, %add3A_161 : vector<4096x1xf32>
    %rsqrt3A_163 = math.rsqrt %add3A_162 : vector<4096x1xf32>
    %mul3A_164 = arith.mulf %mul3A_133, %rsqrt3A_156 : vector<4096x1xf32>
    %mul3A_165 = arith.mulf %mul3A_137, %rsqrt3A_163 : vector<4096x1xf32>
    %concatenate3A_166 = tpu.concatenate %mul3A_164, %mul3A_165, %broadcast_in_dim3A_90, %broadcast_in_dim3A_92 in 1 : vector<4096x1xf32>, vector<4096x1xf32>, vector<4096x1xf32>, vector<4096x5xf32> -> vector<4096x8xf32>
    %get3A_167 = arith.constant 0 : index
    %get3A_168 = arith.constant 0 : index
    %get3A_169 = vector.load %arg10[%get3A_167, %get3A_168] : memref<8x256xf32, #tpu.memory_space<vmem>>, vector<8x256xf32>
    %dot_general3A_170 = arith.constant dense<0.000000e+00> : vector<4096x256xf32>
    %dot_general3A_171 = tpu.matmul %concatenate3A_166, %get3A_169, %dot_general3A_170 {dimension_numbers = #tpu.dot_dimension_numbers<[1], [0], [0], [1], [0, 0, 1, 1], [], []>, transpose_lhs_hint = false} : vector<4096x8xf32>, vector<8x256xf32>, vector<4096x256xf32> -> vector<4096x256xf32>
    %get3A_172 = arith.constant 0 : index
    %get3A_173 = arith.constant 0 : index
    %get3A_174 = vector.load %arg11[%get3A_172, %get3A_173] : memref<1x256xf32, #tpu.memory_space<vmem>>, vector<1x256xf32>
    %slice3A_175 = vector.extract_strided_slice %mul3A_121 {offsets = [0, 0], sizes = [4096, 128], strides = [1, 1]} : vector<4096x256xf32> to vector<4096x128xf32>
    %mul3A_176 = vector.broadcast %rsqrt3A_156 : vector<4096x1xf32> to vector<4096x128xf32>
    %mul3A_177 = arith.mulf %slice3A_175, %mul3A_176 : vector<4096x128xf32>
    %slice3A_178 = vector.extract_strided_slice %get3A_174 {offsets = [0, 0], sizes = [1, 128], strides = [1, 1]} : vector<1x256xf32> to vector<1x128xf32>
    %mul3A_179 = vector.broadcast %slice3A_178 : vector<1x128xf32> to vector<4096x128xf32>
    %mul3A_180 = arith.mulf %mul3A_177, %mul3A_179 : vector<4096x128xf32>
    %slice3A_181 = vector.extract_strided_slice %dot_general3A_171 {offsets = [0, 0], sizes = [4096, 128], strides = [1, 1]} : vector<4096x256xf32> to vector<4096x128xf32>
    %add3A_182 = arith.addf %mul3A_180, %slice3A_181 : vector<4096x128xf32>
    %swap3A = arith.constant 0 : index
    %swap3A_183 = arith.constant 0 : index
    %swap3A_184 = arith.constant 0 : index
    %swap3A_185 = vector.load %arg12[%swap3A, %swap3A_183, %swap3A_184] : memref<2x4096x128xf32, #tpu.memory_space<vmem>>, vector<1x4096x128xf32>
    %swap3A_186 = vector.shape_cast %swap3A_185 : vector<1x4096x128xf32> to vector<4096x128xf32>
    %swap3A_187 = vector.shape_cast %add3A_182 : vector<4096x128xf32> to vector<1x4096x128xf32>
    tpu.vector_store %arg12[%swap3A, %swap3A_183, %swap3A_184], %swap3A_187 {strides = array<i32>} : memref<2x4096x128xf32, #tpu.memory_space<vmem>>, vector<1x4096x128xf32>,
    %slice3A_188 = vector.extract_strided_slice %mul3A_121 {offsets = [0, 128], sizes = [4096, 128], strides = [1, 1]} : vector<4096x256xf32> to vector<4096x128xf32>
    %mul3A_189 = vector.broadcast %rsqrt3A_163 : vector<4096x1xf32> to vector<4096x128xf32>
    %mul3A_190 = arith.mulf %slice3A_188, %mul3A_189 : vector<4096x128xf32>
    %slice3A_191 = vector.extract_strided_slice %get3A_174 {offsets = [0, 128], sizes = [1, 128], strides = [1, 1]} : vector<1x256xf32> to vector<1x128xf32>
    %mul3A_192 = vector.broadcast %slice3A_191 : vector<1x128xf32> to vector<4096x128xf32>
    %mul3A_193 = arith.mulf %mul3A_190, %mul3A_192 : vector<4096x128xf32>
    %slice3A_194 = vector.extract_strided_slice %dot_general3A_171 {offsets = [0, 128], sizes = [4096, 128], strides = [1, 1]} : vector<4096x256xf32> to vector<4096x128xf32>
    %add3A_195 = arith.addf %mul3A_193, %slice3A_194 : vector<4096x128xf32>
    %swap3A_196 = arith.constant 1 : index
    %swap3A_197 = arith.constant 0 : index
    %swap3A_198 = arith.constant 0 : index
    %swap3A_199 = vector.load %arg12[%swap3A_196, %swap3A_197, %swap3A_198] : memref<2x4096x128xf32, #tpu.memory_space<vmem>>, vector<1x4096x128xf32>
    %swap3A_200 = vector.shape_cast %swap3A_199 : vector<1x4096x128xf32> to vector<4096x128xf32>
    %swap3A_201 = vector.shape_cast %add3A_195 : vector<4096x128xf32> to vector<1x4096x128xf32>
    tpu.vector_store %arg12[%swap3A_196, %swap3A_197, %swap3A_198], %swap3A_201 {strides = array<i32>} : memref<2x4096x128xf32, #tpu.memory_space<vmem>>, vector<1x4096x128xf32>,
    return
  }
  func.func @transform_0(%arg0: i32) -> (i32, i32) {
    %c0_i32 = arith.constant 0 : i32
    %c0_i32_0 = arith.constant 0 : i32
    return %arg0, %c0_i32 : i32, i32
  }
  func.func @transform_1(%arg0: i32) -> (i32, i32) {
    %c0_i32 = arith.constant 0 : i32
    %c0_i32_0 = arith.constant 0 : i32
    return %c0_i32, %arg0 : i32, i32
  }
  func.func @transform_2(%arg0: i32) -> (i32, i32) {
    %add3A = arith.constant 100 : i32
    %add3A_0 = arith.addi %arg0, %add3A : i32
    %c0_i32 = arith.constant 0 : i32
    %c0_i32_1 = arith.constant 0 : i32
    return %c0_i32, %add3A_0 : i32, i32
  }
  func.func @transform_3(%arg0: i32) -> (i32, i32) {
    %c0_i32 = arith.constant 0 : i32
    %c0_i32_0 = arith.constant 0 : i32
    %c0_i32_1 = arith.constant 0 : i32
    return %c0_i32, %c0_i32_0 : i32, i32
  }
  func.func @transform_4(%arg0: i32) -> (i32, i32) {
    %c0_i32 = arith.constant 0 : i32
    %c0_i32_0 = arith.constant 0 : i32
    %c0_i32_1 = arith.constant 0 : i32
    return %c0_i32, %c0_i32_0 : i32, i32
  }
  func.func @transform_5(%arg0: i32) -> (i32, i32) {
    %c0_i32 = arith.constant 0 : i32
    %c0_i32_0 = arith.constant 0 : i32
    %c0_i32_1 = arith.constant 0 : i32
    return %c0_i32, %c0_i32_0 : i32, i32
  }
  func.func @transform_6(%arg0: i32) -> (i32, i32) {
    %c0_i32 = arith.constant 0 : i32
    %c0_i32_0 = arith.constant 0 : i32
    %c0_i32_1 = arith.constant 0 : i32
    return %c0_i32, %c0_i32_0 : i32, i32
  }
  func.func @transform_7(%arg0: i32) -> (i32, i32) {
    %c0_i32 = arith.constant 0 : i32
    %c0_i32_0 = arith.constant 0 : i32
    %c0_i32_1 = arith.constant 0 : i32
    return %c0_i32, %c0_i32_0 : i32, i32
  }
  func.func @transform_8(%arg0: i32) -> (i32, i32) {
    %c0_i32 = arith.constant 0 : i32
    %c0_i32_0 = arith.constant 0 : i32
    %c0_i32_1 = arith.constant 0 : i32
    return %c0_i32, %c0_i32_0 : i32, i32
  }
  func.func @transform_9(%arg0: i32) -> (i32, i32) {
    %c0_i32 = arith.constant 0 : i32
    %c0_i32_0 = arith.constant 0 : i32
    %c0_i32_1 = arith.constant 0 : i32
    return %c0_i32, %c0_i32_0 : i32, i32
  }
  func.func @transform_10(%arg0: i32) -> (i32, i32) {
    %c0_i32 = arith.constant 0 : i32
    %c0_i32_0 = arith.constant 0 : i32
    %c0_i32_1 = arith.constant 0 : i32
    return %c0_i32, %c0_i32_0 : i32, i32
  }
  func.func @transform_11(%arg0: i32) -> (i32, i32, i32) {
    %c0_i32 = arith.constant 0 : i32
    %c0_i32_0 = arith.constant 0 : i32
    %c0_i32_1 = arith.constant 0 : i32
    return %c0_i32, %arg0, %c0_i32_0 : i32, i32, i32
  }
}

</mosaic_0001>

<sc_bundles>
// kernel: kernel.4.cloned.1.call-start
scs
__scs_entry_jumppad:
0x0: {  	(pc) =	sbr.rel $0x88, $3  }
0x1: {  	(tag) =	ssettag $0x0;
	lr =	simm.s32 $0x1  }
0x2: {  	[smem:$0x3F96] =	sst lr;
	_ =	strace $0xD0000000  }
0x3: {  	_ = 	snop  }
0x4: {  	_ = 	snop  }
0x5: {  	_ = 	snop  }
0x6: {  	_ = 	snop  }
0x7: {  	_ = 	snop  }
__scs_overlays_trampoline_lowered:
0x8: {  	[smem:$0x3FA5] =	sst s0  }
0x9: {  	[smem:$0x3FA6] =	sst s1  }
0xa: {  	[smem:$0x3FA7] =	sst s2  }
0xb: {  	[smem:$0x3FA8] =	sst s3  }
0xc: {  	[smem:$0x3FA9] =	sst s4  }
0xd: {  	[smem:$0x3FAA] =	sst s5  }
0xe: {  	[smem:$0x3FAB] =	sst s6  }
0xf: {  	[smem:$0x3FAC] =	sst s7  }
0x10: {  	[smem:$0x3FAD] =	sst s8  }
0x11: {  	[smem:$0x3FAE] =	sst s9;
	s0 =	simm.s32 @!p0 $0x0  }
0x12: {  	s1 =	sld [smem:$0x3F94];
	s0 =	simm.s32 @p0 $0x1  }
0x13: {  	[smem:$0x3FAF] =	sst s0;
	s0 =	simm.s32 @!p1 $0x0  }
0x14: {  	s2 =	sld [smem:$0x3F93];
	s0 =	simm.s32 @p1 $0x1  }
0x15: {  	[smem:$0x3FB0] =	sst s0;
	s0 =	simm.s32 @!p2 $0x0  }
0x16: {  	s3 =	sld [smem:$0x3FDB];
	s0 =	simm.s32 @p2 $0x1  }
0x17: {  	s4 =	simm.s32 $0x1BF5;
	[smem:$0x3FB2] =	sst s0  }
0x18: {  	s0 =	sld [smem:$0x3F95];
	_ =	swait.ge [sflag:s4], $0x0  }
0x19: {  	s7 =	sld [smem:$0x3F96]  }
0x1a: {  	s8 =	sadd.s32 $0xFFFFE003, lr  }
0x1b: {  	s9 =	sadd.s32 $0xFFFFFEF7, lr;
	s5 =	simm.s32 $0xFFFFFFFF;
	p2 =	slt.u32 s8, $0xFFFFF086  }
0x1c: {  	p1 =	slt.u32 s9, $0xF7A;
	s5 =	simm.s32 @!p2 $0x0  }
0x1d: {  	s5 =	simm.s32 @p1 $0x1;
	p0 =	seq.s32 s7, s2  }
0x1e: {  	s7 =	smul.u32 @!p0 $0xF7A, s2;
	p2 =	seq.s32 @!p0 s5, $0x0  }
0x1f: {  	s9 =	smul.u32 $0xF7A, s1;
	s8 =	simm.s32 @!p0 $0x1BF5;
	p2 =	por !p2, p0  }
0x20: {  	[sflag:s8] =	ssyncset.s32 @!p0 $0xFFFFF086;
	s6 =	sadd.s32 @!p0 s3, s7;
	s7 =	simm.s32 @!p0 $0x108  }
0x21: {  	s3 =	sadd.s32 s3, s9;
	s6 =	sadd.s32 @!p0 $0x88, s6;
	s7 =	simm.s32 @p2 $0x1082  }
0x22: {  	[simem:s7], [sflag:s8] =	dma.local @!p0 [hbm:s6], $0xF7A  }
0x23: {  	s9 =	sor.u32 $0xD0000000, s2;
	s6 =	simm.s32 $0x108;
	_ =	swait.ge @!p0 [sflag:s8], $0x0  }
0x24: {  	s3 =	sadd.s32 $0x88, s3;
	s6 =	simm.s32 @!p1 $0x1082;
	[sflag:s4] =	ssyncset.s32 $0xFFFFF086  }
0x25: {  	[simem:s6], [sflag:s4] =	dma.local [hbm:s3], $0xF7A  }
0x26: {  	[smem:$0x3F96] =	sst s1;
	(tag) =	ssettag s2;
	_ =	strace s9  }
0x27: {  	s1 =	sld [smem:$0x3FA6]  }
0x28: {  	s2 =	sld [smem:$0x3FA7]  }
0x29: {  	s4 =	sld [smem:$0x3FA9]  }
0x2a: {  	p0 =	seq.s32 s5, $0x0;
	s5 =	sld [smem:$0x3FAA]  }
0x2b: {  	s6 =	sld [smem:$0x3FAB]  }
0x2c: {  	s7 =	sld [smem:$0x3FAC]  }
0x2d: {  	s3 =	simm.s32 $0x108;
	s8 =	sld [smem:$0x3FAD]  }
0x2e: {  	s3 =	simm.s32 @!p0 $0x1082;
	s9 =	sld [smem:$0x3FAE]  }
0x2f: {  	lr =	sadd.s32 s0, s3;
	s0 =	sld [smem:$0x3FA5]  }
0x30: {  	s3 =	sld [smem:$0x3FA8]  }
0x31: {  	[smem:$0x3FB1] =	sst s10  }
0x32: {  	s10 =	sld [smem:$0x3FAF];
	_ =	sdelay $0x3  }
0x33: {  	p0 =	seq.s32 s10, $0x1;
	s10 =	sld [smem:$0x3FB1];
	_ =	sdelay $0x3  }
0x34: {  	[smem:$0x3FB1] =	sst s10  }
0x35: {  	s10 =	sld [smem:$0x3FB0];
	_ =	sdelay $0x3  }
0x36: {  	p1 =	seq.s32 s10, $0x1;
	s10 =	sld [smem:$0x3FB1];
	_ =	sdelay $0x3  }
0x37: {  	[smem:$0x3FB1] =	sst s10  }
0x38: {  	s10 =	sld [smem:$0x3FB2]  }
0x39: {  	_ = 	snop;
	(pc) =	sbr.ind lr, $3  }
0x3a: {  	_ = 	snop  }
0x3b: {  	_ = 	snop  }
0x3c: {  	p2 =	seq.s32 s10, $0x1;
	s10 =	sld [smem:$0x3FB1]  }
0x3d: {  	_ =	shalt  }
0x3e: {  	_ =	shalt  }
0x3f: {  	_ =	shalt  }
0x40: {  	_ =	shalt  }
0x41: {  	_ =	shalt  }
0x42: {  	_ =	shalt  }
0x43: {  	_ =	shalt  }
0x44: {  	_ =	shalt  }
0x45: {  	_ =	shalt  }
0x46: {  	_ =	shalt  }
0x47: {  	_ =	shalt  }
0x48: {  	_ =	shalt  }
0x49: {  	_ =	shalt  }
0x4a: {  	_ =	shalt  }
0x4b: {  	_ =	shalt  }
0x4c: {  	_ =	shalt  }
0x4d: {  	_ =	shalt  }
0x4e: {  	_ =	shalt  }
0x4f: {  	_ =	shalt  }
0x50: {  	_ =	shalt  }
0x51: {  	_ =	shalt  }
0x52: {  	_ =	shalt  }
0x53: {  	_ =	shalt  }
0x54: {  	_ =	shalt  }
0x55: {  	_ =	shalt  }
0x56: {  	_ =	shalt  }
0x57: {  	_ =	shalt  }
0x58: {  	_ =	shalt  }
0x59: {  	_ =	shalt  }
0x5a: {  	_ =	shalt  }
0x5b: {  	_ =	shalt  }
0x5c: {  	_ =	shalt  }
0x5d: {  	_ =	shalt  }
0x5e: {  	_ =	shalt  }
0x5f: {  	_ =	shalt  }
0x60: {  	_ =	shalt  }
0x61: {  	_ =	shalt  }
0x62: {  	_ =	shalt  }
0x63: {  	_ =	shalt  }
0x64: {  	_ =	shalt  }
0x65: {  	_ =	shalt  }
0x66: {  	_ =	shalt  }
0x67: {  	_ =	shalt  }
0x68: {  	_ =	shalt  }
0x69: {  	_ =	shalt  }
0x6a: {  	_ =	shalt  }
0x6b: {  	_ =	shalt  }
0x6c: {  	_ =	shalt  }
0x6d: {  	_ =	shalt  }
0x6e: {  	_ =	shalt  }
0x6f: {  	_ =	shalt  }
0x70: {  	_ =	shalt  }
0x71: {  	_ =	shalt  }
0x72: {  	_ =	shalt  }
0x73: {  	_ =	shalt  }
0x74: {  	_ =	shalt  }
0x75: {  	_ =	shalt  }
0x76: {  	_ =	shalt  }
0x77: {  	_ =	shalt  }
0x78: {  	_ =	shalt  }
0x79: {  	_ =	shalt  }
0x7a: {  	_ =	shalt  }
0x7b: {  	_ =	shalt  }
0x7c: {  	_ =	shalt  }
0x7d: {  	_ =	shalt  }
0x7e: {  	_ =	shalt  }
0x7f: {  	_ =	shalt  }
0x80: {  	_ =	shalt  }
0x81: {  	_ =	shalt  }
0x82: {  	_ =	shalt  }
0x83: {  	_ =	shalt  }
0x84: {  	_ =	shalt  }
0x85: {  	_ =	shalt  }
0x86: {  	_ =	shalt  }
0x87: {  	_ =	shalt  }
.Lfunc_end0:
.L_simem_size_0:
called_computation_lowered:
.L_overlay_start_0:
0x88: {  	s2 =	sld [smem:$0x3FD9]  }
0x89: {  	s3 =	sld [smem:$0x3FFE];
	_ =	sdelay $0x1  }
0x8a: {  	s1 =	srdreg.scid  }
0x8b: {  	s0 =	sand.u32 $0x1, s1  }
0x8c: {  	s17 =	sshll.u32 s0, $0xA;
	s2 =	sadd.s32 s3, s2  }
0x8d: {  	s2 =	sadd.s32 s2, s17  }
0x8e: {  	[smem:$0x3FBD] =	sst s2  }
0x8f: {  	_ = 	snop  }
0x90: {  	s2 =	sld [smem:$0x3FC9]  }
0x91: {  	s18 =	sld [smem:$0x3FC8]  }
0x92: {  	s4 =	sld [smem:$0x3FD0];
	(tm) =	ssettm $0x1  }
0x93: {  	s5 =	sld [smem:$0x3FFB];
	_ =	sdelay $0x3  }
0x94: {  	_ =	strace s5  }
0x95: {  	s5 =	sld [smem:$0x3FFC];
	_ =	sdelay $0x3  }
0x96: {  	_ =	strace s5  }
0x97: {  	s5 =	sld [smem:$0x3FFD];
	_ =	sdelay $0x3  }
0x98: {  	_ =	strace s5  }
0x99: {  	_ =	strace $0x8FFFFFFF  }
0x9a: {  	s19 =	sld [smem:$0x3FDB];
	_ =	sdelay $0x1  }
0x9b: {  	s6 =	simm.s32 $_scs_section_size  }
0x9c: {  	s7 =	simm.s32 $_size__tile_overlayer_lowered;
	s8 =	simm.s32 $_tile_overlayer_lowered  }
0x9d: {  	s22 =	simm.s32 $0x1BFF;
	s21 =	sshll.u32 s8, $0x1;
	s5 =	sadd.s32 s6, s19  }
0x9e: {  	s9 =	simm.s32 $0x0;
	s20 =	sshll.u32 s7, $0x1;
	s7 =	sadd.s32 s21, s5  }
0x9f: {  	[timem:s9], [sflag:s22] =	dma.local [hbm:s7], s20  }
0xa0: {  	_ =	swait.ge [sflag:s22], s20  }
0xa1: {  	s6 =	ssub.s32 $0x0, s20;
	[sflag:s22] =	ssyncset.done $0x0  }
0xa2: {  	[sflag:s22] =	ssyncadd.s32 s6;
	_ =	sdelay $0x1  }
0xa3: {  	s23 =	simm.s32 $0x1B8B  }
0xa4: {  	_ =	swait.ge [sflag:s23], $0x1  }
0xa5: {  	[sflag:s23] =	ssyncset.done $0x0  }
0xa6: {  	s25 =	simm.s32 $0x1B8E;
	s24 =	sld [smem:$0x3FFE];
	[sflag:s23] =	ssyncadd.s32 $0xFFFFFFFF  }
0xa7: {  	s26 =	simm.s32 $execute0_lowered;
	[smem:$0x3FD2] =	sst s25  }
0xa8: {  	s7 =	sshll.u32 s26, $0x1;
	_ =	strace $0x80000046;
	[dreg:$0x1] =	wrdreg $0xFFFFFFFF  }
0xa9: {  	s28 =	simm.s32 $_size_execute0_lowered;
	s5 =	sadd.s32 s5, s7;
	[dreg:$0x0] =	wrdreg $0x0  }
0xaa: {  	s7 =	sshll.u32 s28, $0x1;
	[dreg:$0x2] =	wrdreg s5  }
0xab: {  	[dreg:$0x3] =	wrdreg s7  }
0xac: {  	[dreg:$0x4] =	wrdreg $0xC0  }
0xad: {  	_ =	task [dreg:s9], $0x5FFFF  }
0xae: {  	[dreg:$0x1] =	wrdreg $0xFFFFFFFF  }
0xaf: {  	[dreg:$0x0] =	wrdreg $0x60  }
0xb0: {  	[dreg:$0x2] =	wrdreg s2  }
0xb1: {  	[dreg:$0x3] =	wrdreg s18  }
0xb2: {  	[dreg:$0x4] =	wrdreg s4  }
0xb3: {  	[dreg:$0x5] =	wrdreg s24  }
0xb4: {  	[dreg:$0x6] =	wrdreg $0x9  }
0xb5: {  	_ =	task.clear_ibuf [dreg:s9], $0x7FFFF;
	_ =	strace $0x90000046  }
0xb6: {  	s29 =	simm.s32 $0x9;
	_ =	strace $0x80000048  }
0xb7: {  	_ =	swait.ge [sflag:s29], $0x1  }
0xb8: {  	[sflag:s29] =	ssyncadd.s32 $0xFFFFFFFF  }
0xb9: {  	_ =	strace $0x90000048  }
0xba: {  	_ =	sfence  }
0xbb: {  	s30 =	sld [smem:$0x0];
	_ =	sdelay $0x2  }
0xbc: {  	s31 =	sshll.u32 s1, $0xD;
	s1 =	sshrl.u32 s1, $0x2  }
0xbd: {  	s3 =	sand.u32 $0x4000, s31;
	s1 =	sadd.s32 s1, s30  }
0xbe: {  	s0 =	sor.u32 s3, s0;
	s1 =	sshll.u32 s1, $0x11  }
0xbf: {  	s0 =	sor.u32 s1, s0  }
0xc0: {  	s0 =	sadd.s32 $0x8F2B, s0  }
0xc1: {  	[sflag:s0] =	ssyncadd.remote.s32 $0x1  }
0xc2: {  	_ =	sfence.sel $0xFFFF  }
0xc3: {  	[dreg:$0x0] =	wrdreg $0xFFFFFFFF;
	(pc) =	sbr.abs _section_cstart, $3  }
0xc4: {  	[dreg:$0x1] =	wrdreg $0xFFFFFFFF  }
0xc5: {  	_ =	task.clear_ibuf [dreg:s9], $0x2FFFF;
	_ =	strace $0x9FFFFFFF  }
0xc6: {  	(tm) =	ssettm $0x7FFFFFFF  }
0xc7: {  	_ =	shalt  }
tec
execute0_lowered:
.L_overlay_start_1:
0x0: {  	(tag) =	ssettag $0x1  }
0x1: {  	s4 =	rddreg [dreg:$0x2]  }
0x2: {  	s8 =	rddreg [dreg:$0x3];
	s5 =	simm.s32 $0x0  }
0x3: {  	s12 =	simm.s32 $0x1800;
	[smem:$0x7FF] =	sst s5  }
0x4: {  	s13 =	simm.s32 $0x280;
	_ =	strace $0x80000047;
	[dreg:$0x6] =	wrdreg s12  }
0x5: {  	s14 =	simm.s32 $0x5800;
	[dreg:$0x7] =	wrdreg s13  }
0x6: {  	s15 =	simm.s32 $0x480;
	[dreg:$0x8] =	wrdreg s14  }
0x7: {  	s16 =	simm.s32 $0x9000;
	[dreg:$0x9] =	wrdreg s15  }
0x8: {  	s18 =	simm.s32 $0x680;
	[dreg:$0xa] =	wrdreg s16  }
0x9: {  	s0 =	stileid.u32;
	s19 =	simm.s32 $0xB000;
	[dreg:$0xb] =	wrdreg s18  }
0xa: {  	s3 =	srdreg.scid;
	s20 =	simm.s32 $0x100;
	[dreg:$0xc] =	wrdreg s19  }
0xb: {  	s22 =	simm.s32 $0x2800;
	s23 =	simm.s32 $0x300;
	[dreg:$0xd] =	wrdreg s20  }
0xc: {  	s25 =	simm.s32 $0x6800;
	s28 =	simm.s32 $0x500;
	[dreg:$0xe] =	wrdreg s22  }
0xd: {  	s29 =	simm.s32 $0x9800;
	s30 =	simm.s32 $0x700;
	[dreg:$0xf] =	wrdreg s23  }
0xe: {  	s31 =	simm.s32 $0xB800;
	s2 =	simm.s32 $0xC000;
	[dreg:$0x10] =	wrdreg s25  }
0xf: {  	s1 =	simm.s32 $0x0;
	s6 =	smul.u32 $0x64000, s0;
	[dreg:$0x11] =	wrdreg s28  }
0x10: {  	s7 =	sand.u32 $0x1, s3;
	s21 =	smul.u32 $0x6400, s0;
	[dreg:$0x12] =	wrdreg s29  }
0x11: {  	s9 =	smul.u32 $0x32000, s7;
	s17 =	ssub.s32 $0x2, s7;
	[dreg:$0x13] =	wrdreg s30  }
0x12: {  	s11 =	smul.u32 $0x3200, s7;
	[dreg:$0x14] =	wrdreg s31;
	s12 =	simm.s32 $0x180  }
0x13: {  	s13 =	simm.s32 $0x3800;
	s14 =	simm.s32 $0x380;
	s15 =	simm.s32 $0x7800  }
0x14: {  	s16 =	simm.s32 $0x580;
	s19 =	simm.s32 $0x780;
	s18 =	simm.s32 $0xA800  }
0x15: {  	s20 =	simm.s32 $0x1;
	s22 =	simm.s32 $0x20;
	[dreg:$0x15] =	wrdreg s12  }
0x16: {  	s23 =	simm.s32 $0x10;
	s6 =	sadd.s32 s6, s8;
	[dreg:$0x16] =	wrdreg s13  }
0x17: {  	s10 =	sshrl.u32 s17, $0x1;
	s12 =	simm.s32 $0x400;
	[dreg:$0x17] =	wrdreg s14  }
0x18: {  	s13 =	simm.s32 $0x600;
	s14 =	simm.s32 $0x80;
	[dreg:$0x18] =	wrdreg s15  }
0x19: {  	s15 =	simm.s32 $0x800;
	[dreg:$0x19] =	wrdreg s16;
	s16 =	simm.s32 $0x4800  }
0x1a: {  	[dreg:$0x1b] =	wrdreg s19;
	s6 =	sadd.s32 s9, s6;
	s9 =	ssub.s32 s17, s10  }
0x1b: {  	s26 =	sadd.s32 s11, s21;
	s10 =	simm.s32 $0x3;
	s11 =	simm.s32 $0x200  }
0x1c: {  	s17 =	simm.s32 $0xA000;
	s21 =	simm.s32 $0x2;
	s6 =	sadd.s32 $0x1B8A00, s6  }
0x1d: {  	s24 =	smax.u32 s9, $0x1;
	s9 =	sadd.s32 $0x64000, s26;
	[dreg:$0x1a] =	wrdreg s17  }
0x1e: {  	s17 =	simm.s32 $0x8800;
	[dreg:$0x5] =	wrdreg s6;
	s6 =	sadd.s32 $0x187C00, s8  }
0x1f: {  	[dreg:$0x1c] =	wrdreg s24;
	s8 =	sshrl.u32 s26, $0x3;
	s9 =	sshrl.u32 s9, $0x3  }
.LBB2_1:
0x20: {  	s0 =	rddreg [dreg:$0x0]  }
0x21: {  	[dreg:$0x1d] =	wrdreg s1;
	s25 =	sadd.s32 s0, s8  }
0x22: {  	[tilespmem:s5], [sflag:$0x3] =	stream.linear.gather [hbm4b:s25+s5], $0x200, $0x38;
	[tilespmem:$0xC800] =	vst v63  }
0x23: {  	_ =	swait.ge [sflag:s10], $0x200  }
0x24: {  	[sflag:s10] =	ssyncset.done $0x0  }
0x25: {  	s19 =	sadd.s32 s0, s9;
	[sflag:s10] =	ssyncadd.s32 $0xFFFFFE00  }
0x26: {  	[tilespmem:s11], [sflag:$0x3] =	stream.linear.gather [hbm4b:s19+s5], $0x200, $0x38;
	[tilespmem:$0xC800] =	vst v63  }
0x27: {  	_ =	swait.ge [sflag:s10], $0x200  }
0x28: {  	[sflag:s10] =	ssyncset.done $0x0  }
0x29: {  	s1 =	rddreg [dreg:$0x1]  }
0x2a: {  	[sflag:s10] =	ssyncadd.s32 $0xFFFFFE00;
	s24 =	sadd.s32 s1, s8  }
0x2b: {  	[tilespmem:s12], [sflag:$0x3] =	stream.linear.gather [hbm4b:s24+s5], $0x200, $0x38;
	[tilespmem:$0xC800] =	vst v63  }
0x2c: {  	_ =	swait.ge [sflag:s10], $0x200  }
0x2d: {  	[sflag:s10] =	ssyncset.done $0x0  }
0x2e: {  	s26 =	sadd.s32 s1, s9;
	[sflag:s10] =	ssyncadd.s32 $0xFFFFFE00  }
0x2f: {  	[tilespmem:s13], [sflag:$0x3] =	stream.linear.gather [hbm4b:s26+s5], $0x200, $0x38;
	[tilespmem:$0xC800] =	vst v63  }
0x30: {  	_ =	swait.ge [sflag:s10], $0x200  }
0x31: {  	s31 =	rddreg [dreg:$0x1a]  }
0x32: {  	s26 =	rddreg [dreg:$0xa]  }
0x33: {  	[sflag:s10] =	ssyncset.done $0x0;
	s28 =	rddreg [dreg:$0x8]  }
0x34: {  	s29 =	rddreg [dreg:$0x6];
	[sflag:s10] =	ssyncadd.s32 $0xFFFFFE00  }
0x35: {  	[tilespmem:s15], [sflag:$0x1] =	stream.indirect.gather [hbm4b:s4+s14], $0x20, s5, s14, $0xb8;
	[tilespmem:$0xC800] =	vst v63  }
0x36: {  	s30 =	rddreg [dreg:$0x7]  }
0x37: {  	[tilespmem:s16], [sflag:$0x1] =	stream.indirect.gather [hbm4b:s4+s14], $0x20, s11, s14, $0xb8;
	[tilespmem:$0xC800] =	vst v63  }
0x38: {  	s3 =	rddreg [dreg:$0xe]  }
0x39: {  	[tilespmem:s17], [sflag:$0x2] =	stream.indirect.gather [hbm4b:s6+s14], $0x10, s12, s14, $0xb8;
	[tilespmem:$0xC800] =	vst v63  }
0x3a: {  	s7 =	rddreg [dreg:$0x12]  }
0x3b: {  	[tilespmem:s18], [sflag:$0x2] =	stream.indirect.gather [hbm4b:s6+s14], $0x10, s13, s14, $0xb8;
	[tilespmem:$0xC800] =	vst v63  }
0x3c: {  	s19 =	rddreg [dreg:$0x16]  }
0x3d: {  	[tilespmem:s29], [sflag:$0x1] =	stream.indirect.gather [hbm4b:s4+s14], $0x20, s14, s14, $0xb8;
	[tilespmem:$0xC800] =	vst v63  }
0x3e: {  	s29 =	rddreg [dreg:$0x9]  }
0x3f: {  	[tilespmem:s28], [sflag:$0x1] =	stream.indirect.gather [hbm4b:s4+s14], $0x20, s30, s14, $0xb8;
	[tilespmem:$0xC800] =	vst v63  }
0x40: {  	s28 =	rddreg [dreg:$0xc]  }
0x41: {  	s30 =	rddreg [dreg:$0xb]  }
0x42: {  	[tilespmem:s26], [sflag:$0x2] =	stream.indirect.gather [hbm4b:s6+s14], $0x10, s29, s14, $0xb8;
	[tilespmem:$0xC800] =	vst v63  }
0x43: {  	s29 =	rddreg [dreg:$0xd]  }
0x44: {  	[tilespmem:s28], [sflag:$0x2] =	stream.indirect.gather [hbm4b:s6+s14], $0x10, s30, s14, $0xb8;
	[tilespmem:$0xC800] =	vst v63  }
0x45: {  	s28 =	rddreg [dreg:$0x10]  }
0x46: {  	s30 =	rddreg [dreg:$0xf]  }
0x47: {  	[tilespmem:s3], [sflag:$0x1] =	stream.indirect.gather [hbm4b:s4+s14], $0x20, s29, s14, $0xb8;
	[tilespmem:$0xC800] =	vst v63  }
0x48: {  	s29 =	rddreg [dreg:$0x11]  }
0x49: {  	[tilespmem:s28], [sflag:$0x1] =	stream.indirect.gather [hbm4b:s4+s14], $0x20, s30, s14, $0xb8;
	[tilespmem:$0xC800] =	vst v63  }
0x4a: {  	s28 =	rddreg [dreg:$0x14]  }
0x4b: {  	s30 =	rddreg [dreg:$0x13]  }
0x4c: {  	[tilespmem:s7], [sflag:$0x2] =	stream.indirect.gather [hbm4b:s6+s14], $0x10, s29, s14, $0xb8;
	[tilespmem:$0xC800] =	vst v63  }
0x4d: {  	s29 =	rddreg [dreg:$0x15]  }
0x4e: {  	[tilespmem:s28], [sflag:$0x2] =	stream.indirect.gather [hbm4b:s6+s14], $0x10, s30, s14, $0xb8;
	[tilespmem:$0xC800] =	vst v63  }
0x4f: {  	s28 =	rddreg [dreg:$0x18]  }
0x50: {  	[tilespmem:s19], [sflag:$0x1] =	stream.indirect.gather [hbm4b:s4+s14], $0x20, s29, s14, $0xb8;
	[tilespmem:$0xC800] =	vst v63  }
0x51: {  	s30 =	rddreg [dreg:$0x17]  }
0x52: {  	[tilespmem:s28], [sflag:$0x1] =	stream.indirect.gather [hbm4b:s4+s14], $0x20, s30, s14, $0xb8;
	[tilespmem:$0xC800] =	vst v63  }
0x53: {  	s24 =	rddreg [dreg:$0x19]  }
0x54: {  	[tilespmem:s31], [sflag:$0x2] =	stream.indirect.gather [hbm4b:s6+s14], $0x10, s24, s14, $0xb8;
	[tilespmem:$0xC800] =	vst v63  }
0x55: {  	s28 =	rddreg [dreg:$0x1b]  }
0x56: {  	[tilespmem:s2], [sflag:$0x2] =	stream.indirect.gather [hbm4b:s6+s14], $0x10, s28, s14, $0xb8;
	[tilespmem:$0xC800] =	vst v63  }
0x57: {  	_ =	swait.ge [sflag:s20], $0x1000  }
0x58: {  	[sflag:s20] =	ssyncset.done $0x0  }
0x59: {  	[sflag:s20] =	ssyncadd.s32 $0xFFFFF000  }
0x5a: {  	_ =	swait.ge [sflag:s20], $0x1000  }
0x5b: {  	[sflag:s20] =	ssyncset.done $0x0  }
0x5c: {  	[sflag:s20] =	ssyncadd.s32 $0xFFFFF000  }
0x5d: {  	_ =	swait.ge [sflag:s21], $0x800  }
0x5e: {  	[sflag:s21] =	ssyncset.done $0x0  }
0x5f: {  	[sflag:s21] =	ssyncadd.s32 $0xFFFFF800  }
0x60: {  	_ =	swait.ge [sflag:s21], $0x800  }
0x61: {  	[sflag:s21] =	ssyncset.done $0x0  }
0x62: {  	[sflag:s21] =	ssyncadd.s32 $0xFFFFF800  }
0x63: {  	_ =	swait.ge [sflag:s20], $0x1000  }
0x64: {  	[sflag:s20] =	ssyncset.done $0x0  }
0x65: {  	[sflag:s20] =	ssyncadd.s32 $0xFFFFF000  }
0x66: {  	_ =	swait.ge [sflag:s20], $0x1000  }
0x67: {  	[sflag:s20] =	ssyncset.done $0x0  }
0x68: {  	[sflag:s20] =	ssyncadd.s32 $0xFFFFF000  }
0x69: {  	_ =	swait.ge [sflag:s21], $0x800  }
0x6a: {  	[sflag:s21] =	ssyncset.done $0x0  }
0x6b: {  	[sflag:s21] =	ssyncadd.s32 $0xFFFFF800  }
0x6c: {  	_ =	swait.ge [sflag:s21], $0x800  }
0x6d: {  	[sflag:s21] =	ssyncset.done $0x0  }
0x6e: {  	[sflag:s21] =	ssyncadd.s32 $0xFFFFF800  }
0x6f: {  	_ =	swait.ge [sflag:s20], $0x1000  }
0x70: {  	[sflag:s20] =	ssyncset.done $0x0  }
0x71: {  	[sflag:s20] =	ssyncadd.s32 $0xFFFFF000  }
0x72: {  	_ =	swait.ge [sflag:s20], $0x1000  }
0x73: {  	[sflag:s20] =	ssyncset.done $0x0  }
0x74: {  	[sflag:s20] =	ssyncadd.s32 $0xFFFFF000  }
0x75: {  	_ =	swait.ge [sflag:s21], $0x800  }
0x76: {  	[sflag:s21] =	ssyncset.done $0x0  }
0x77: {  	[sflag:s21] =	ssyncadd.s32 $0xFFFFF800  }
0x78: {  	_ =	swait.ge [sflag:s21], $0x800  }
0x79: {  	[sflag:s21] =	ssyncset.done $0x0  }
0x7a: {  	[sflag:s21] =	ssyncadd.s32 $0xFFFFF800  }
0x7b: {  	_ =	swait.ge [sflag:s20], $0x1000  }
0x7c: {  	[sflag:s20] =	ssyncset.done $0x0  }
0x7d: {  	[sflag:s20] =	ssyncadd.s32 $0xFFFFF000  }
0x7e: {  	_ =	swait.ge [sflag:s20], $0x1000  }
0x7f: {  	[sflag:s20] =	ssyncset.done $0x0  }
0x80: {  	[sflag:s20] =	ssyncadd.s32 $0xFFFFF000  }
0x81: {  	_ =	swait.ge [sflag:s21], $0x800  }
0x82: {  	[sflag:s21] =	ssyncset.done $0x0  }
0x83: {  	[sflag:s21] =	ssyncadd.s32 $0xFFFFF800  }
0x84: {  	_ =	swait.ge [sflag:s21], $0x800  }
0x85: {  	s31 =	rddreg [dreg:$0x5];
	[sflag:s21] =	ssyncset.done $0x0  }
0x86: {  	[sflag:s21] =	ssyncadd.s32 $0xFFFFF800;
	s30 =	sadd.s32 $0x0, s31  }
0x87: {  	[hbm4b:s30+s22] =	stream.strided.scatter [tilespmem:s15], [sflag:$0x3], $0x4000, s14, s22, $0x38;
	[tilespmem:$0xC800] =	vst v63  }
0x88: {  	_ =	swait.ge [sflag:s10], $0x4000  }
0x89: {  	[sflag:s10] =	ssyncset.done $0x0  }
0x8a: {  	s25 =	sadd.s32 $0x4, s30;
	[sflag:s10] =	ssyncadd.s32 $0xFFFFC000  }
0x8b: {  	[hbm4b:s25+s23] =	stream.strided.scatter [tilespmem:s17], [sflag:$0x3], $0x2000, s14, s23, $0x38;
	[tilespmem:$0xC800] =	vst v63  }
0x8c: {  	_ =	swait.ge [sflag:s10], $0x2000  }
0x8d: {  	s26 =	sadd.s32 $0x40, s1;
	s28 =	sadd.s32 $0x40, s0;
	[sflag:s10] =	ssyncset.done $0x0  }
0x8e: {  	s29 =	sadd.s32 $0x8, s30;
	s25 =	simm.s32 $0x2000;
	[sflag:s10] =	ssyncadd.s32 $0xFFFFE000  }
.LBB2_2:
0x8f: {  	[hbm4b:s29+s22] =	stream.strided.scatter [tilespmem:s16], [sflag:$0x3], $0x4000, s14, s22, $0x38;
	[tilespmem:$0xC800] =	vst v63  }
0x90: {  	_ =	swait.ge [sflag:s10], $0x4000  }
0x91: {  	[sflag:s10] =	ssyncset.done $0x0  }
0x92: {  	s30 =	sadd.s32 $0xC, s30;
	[sflag:s10] =	ssyncadd.s32 $0xFFFFC000  }
0x93: {  	[hbm4b:s30+s23] =	stream.strided.scatter [tilespmem:s18], [sflag:$0x3], $0x2000, s14, s23, $0x38;
	[tilespmem:$0xC800] =	vst v63  }
0x94: {  	_ =	swait.ge [sflag:s10], $0x2000  }
0x95: {  	[sflag:s10] =	ssyncset.done $0x0  }
0x96: {  	s30 =	sadd.s32 s28, s8;
	[sflag:s10] =	ssyncadd.s32 $0xFFFFE000  }
0x97: {  	[tilespmem:s5], [sflag:$0x3] =	stream.linear.gather [hbm4b:s30+s5], $0x200, $0x38;
	[tilespmem:$0xC800] =	vst v63  }
0x98: {  	_ =	swait.ge [sflag:s10], $0x200  }
0x99: {  	[sflag:s10] =	ssyncset.done $0x0  }
0x9a: {  	s30 =	sadd.s32 s28, s9;
	[sflag:s10] =	ssyncadd.s32 $0xFFFFFE00  }
0x9b: {  	[tilespmem:s11], [sflag:$0x3] =	stream.linear.gather [hbm4b:s30+s5], $0x200, $0x38;
	[tilespmem:$0xC800] =	vst v63  }
0x9c: {  	_ =	swait.ge [sflag:s10], $0x200  }
0x9d: {  	[sflag:s10] =	ssyncset.done $0x0  }
0x9e: {  	s30 =	sadd.s32 s26, s8;
	[sflag:s10] =	ssyncadd.s32 $0xFFFFFE00  }
0x9f: {  	[tilespmem:s12], [sflag:$0x3] =	stream.linear.gather [hbm4b:s30+s5], $0x200, $0x38;
	[tilespmem:$0xC800] =	vst v63  }
0xa0: {  	_ =	swait.ge [sflag:s10], $0x200  }
0xa1: {  	[sflag:s10] =	ssyncset.done $0x0  }
0xa2: {  	s30 =	sadd.s32 s26, s9;
	[sflag:s10] =	ssyncadd.s32 $0xFFFFFE00  }
0xa3: {  	[tilespmem:s13], [sflag:$0x3] =	stream.linear.gather [hbm4b:s30+s5], $0x200, $0x38;
	[tilespmem:$0xC800] =	vst v63  }
0xa4: {  	_ =	swait.ge [sflag:s10], $0x200  }
0xa5: {  	s30 =	rddreg [dreg:$0x1a]  }
0xa6: {  	s31 =	rddreg [dreg:$0x18]  }
0xa7: {  	s3 =	rddreg [dreg:$0x16]  }
0xa8: {  	s0 =	rddreg [dreg:$0x14]  }
0xa9: {  	s7 =	rddreg [dreg:$0x12]  }
0xaa: {  	s1 =	rddreg [dreg:$0xa];
	[sflag:s10] =	ssyncset.done $0x0  }
0xab: {  	s2 =	rddreg [dreg:$0xc];
	[sflag:s10] =	ssyncadd.s32 $0xFFFFFE00  }
0xac: {  	[tilespmem:s15], [sflag:$0x1] =	stream.indirect.gather [hbm4b:s4+s14], $0x20, s5, s14, $0xb8;
	[tilespmem:$0xC800] =	vst v63  }
0xad: {  	s24 =	rddreg [dreg:$0xe]  }
0xae: {  	[tilespmem:s16], [sflag:$0x1] =	stream.indirect.gather [hbm4b:s4+s14], $0x20, s11, s14, $0xb8;
	[tilespmem:$0xC800] =	vst v63  }
0xaf: {  	s19 =	rddreg [dreg:$0x10]  }
0xb0: {  	[tilespmem:s17], [sflag:$0x2] =	stream.indirect.gather [hbm4b:s6+s14], $0x10, s12, s14, $0xb8;
	[tilespmem:$0xC800] =	vst v63  }
0xb1: {  	s11 =	rddreg [dreg:$0x8]  }
0xb2: {  	[tilespmem:s18], [sflag:$0x2] =	stream.indirect.gather [hbm4b:s6+s14], $0x10, s13, s14, $0xb8;
	[tilespmem:$0xC800] =	vst v63  }
0xb3: {  	s12 =	rddreg [dreg:$0x6]  }
0xb4: {  	[tilespmem:s12], [sflag:$0x1] =	stream.indirect.gather [hbm4b:s4+s14], $0x20, s14, s14, $0xb8;
	[tilespmem:$0xC800] =	vst v63  }
0xb5: {  	s13 =	rddreg [dreg:$0x7]  }
0xb6: {  	[tilespmem:s11], [sflag:$0x1] =	stream.indirect.gather [hbm4b:s4+s14], $0x20, s13, s14, $0xb8;
	[tilespmem:$0xC800] =	vst v63  }
0xb7: {  	s12 =	rddreg [dreg:$0x9]  }
0xb8: {  	[tilespmem:s1], [sflag:$0x2] =	stream.indirect.gather [hbm4b:s6+s14], $0x10, s12, s14, $0xb8;
	[tilespmem:$0xC800] =	vst v63  }
0xb9: {  	s11 =	rddreg [dreg:$0xb]  }
0xba: {  	[tilespmem:s2], [sflag:$0x2] =	stream.indirect.gather [hbm4b:s6+s14], $0x10, s11, s14, $0xb8;
	[tilespmem:$0xC800] =	vst v63  }
0xbb: {  	s1 =	rddreg [dreg:$0xd]  }
0xbc: {  	[tilespmem:s24], [sflag:$0x1] =	stream.indirect.gather [hbm4b:s4+s14], $0x20, s1, s14, $0xb8;
	[tilespmem:$0xC800] =	vst v63  }
0xbd: {  	s2 =	rddreg [dreg:$0xf]  }
0xbe: {  	[tilespmem:s19], [sflag:$0x1] =	stream.indirect.gather [hbm4b:s4+s14], $0x20, s2, s14, $0xb8;
	[tilespmem:$0xC800] =	vst v63  }
0xbf: {  	s24 =	rddreg [dreg:$0x11]  }
0xc0: {  	[tilespmem:s7], [sflag:$0x2] =	stream.indirect.gather [hbm4b:s6+s14], $0x10, s24, s14, $0xb8;
	[tilespmem:$0xC800] =	vst v63  }
0xc1: {  	s19 =	rddreg [dreg:$0x13]  }
0xc2: {  	[tilespmem:s0], [sflag:$0x2] =	stream.indirect.gather [hbm4b:s6+s14], $0x10, s19, s14, $0xb8;
	[tilespmem:$0xC800] =	vst v63  }
0xc3: {  	s24 =	rddreg [dreg:$0x15]  }
0xc4: {  	[tilespmem:s3], [sflag:$0x1] =	stream.indirect.gather [hbm4b:s4+s14], $0x20, s24, s14, $0xb8;
	[tilespmem:$0xC800] =	vst v63  }
0xc5: {  	s7 =	rddreg [dreg:$0x17]  }
0xc6: {  	[tilespmem:s31], [sflag:$0x1] =	stream.indirect.gather [hbm4b:s4+s14], $0x20, s7, s14, $0xb8;
	[tilespmem:$0xC800] =	vst v63  }
0xc7: {  	s19 =	rddreg [dreg:$0x19]  }
0xc8: {  	[tilespmem:s30], [sflag:$0x2] =	stream.indirect.gather [hbm4b:s6+s14], $0x10, s19, s14, $0xb8;
	[tilespmem:$0xC800] =	vst v63  }
0xc9: {  	s2 =	simm.s32 $0xC000;
	s24 =	rddreg [dreg:$0x1b]  }
0xca: {  	[tilespmem:s2], [sflag:$0x2] =	stream.indirect.gather [hbm4b:s6+s14], $0x10, s24, s14, $0xb8;
	[tilespmem:$0xC800] =	vst v63  }
0xcb: {  	_ =	swait.ge [sflag:s20], $0x1000  }
0xcc: {  	[sflag:s20] =	ssyncset.done $0x0  }
0xcd: {  	[sflag:s20] =	ssyncadd.s32 $0xFFFFF000  }
0xce: {  	_ =	swait.ge [sflag:s20], $0x1000  }
0xcf: {  	[sflag:s20] =	ssyncset.done $0x0  }
0xd0: {  	[sflag:s20] =	ssyncadd.s32 $0xFFFFF000  }
0xd1: {  	_ =	swait.ge [sflag:s21], $0x800  }
0xd2: {  	[sflag:s21] =	ssyncset.done $0x0  }
0xd3: {  	[sflag:s21] =	ssyncadd.s32 $0xFFFFF800  }
0xd4: {  	_ =	swait.ge [sflag:s21], $0x800  }
0xd5: {  	[sflag:s21] =	ssyncset.done $0x0  }
0xd6: {  	[sflag:s21] =	ssyncadd.s32 $0xFFFFF800  }
0xd7: {  	_ =	swait.ge [sflag:s20], $0x1000  }
0xd8: {  	[sflag:s20] =	ssyncset.done $0x0  }
0xd9: {  	[sflag:s20] =	ssyncadd.s32 $0xFFFFF000  }
0xda: {  	_ =	swait.ge [sflag:s20], $0x1000  }
0xdb: {  	[sflag:s20] =	ssyncset.done $0x0  }
0xdc: {  	[sflag:s20] =	ssyncadd.s32 $0xFFFFF000  }
0xdd: {  	_ =	swait.ge [sflag:s21], $0x800  }
0xde: {  	[sflag:s21] =	ssyncset.done $0x0  }
0xdf: {  	[sflag:s21] =	ssyncadd.s32 $0xFFFFF800  }
0xe0: {  	_ =	swait.ge [sflag:s21], $0x800  }
0xe1: {  	[sflag:s21] =	ssyncset.done $0x0  }
0xe2: {  	[sflag:s21] =	ssyncadd.s32 $0xFFFFF800  }
0xe3: {  	_ =	swait.ge [sflag:s20], $0x1000  }
0xe4: {  	[sflag:s20] =	ssyncset.done $0x0  }
0xe5: {  	[sflag:s20] =	ssyncadd.s32 $0xFFFFF000  }
0xe6: {  	_ =	swait.ge [sflag:s20], $0x1000  }
0xe7: {  	[sflag:s20] =	ssyncset.done $0x0  }
0xe8: {  	[sflag:s20] =	ssyncadd.s32 $0xFFFFF000  }
0xe9: {  	_ =	swait.ge [sflag:s21], $0x800  }
0xea: {  	[sflag:s21] =	ssyncset.done $0x0  }
0xeb: {  	[sflag:s21] =	ssyncadd.s32 $0xFFFFF800  }
0xec: {  	_ =	swait.ge [sflag:s21], $0x800  }
0xed: {  	[sflag:s21] =	ssyncset.done $0x0  }
0xee: {  	[sflag:s21] =	ssyncadd.s32 $0xFFFFF800  }
0xef: {  	_ =	swait.ge [sflag:s20], $0x1000  }
0xf0: {  	[sflag:s20] =	ssyncset.done $0x0  }
0xf1: {  	[sflag:s20] =	ssyncadd.s32 $0xFFFFF000  }
0xf2: {  	_ =	swait.ge [sflag:s20], $0x1000  }
0xf3: {  	[sflag:s20] =	ssyncset.done $0x0  }
0xf4: {  	[sflag:s20] =	ssyncadd.s32 $0xFFFFF000  }
0xf5: {  	_ =	swait.ge [sflag:s21], $0x800  }
0xf6: {  	[sflag:s21] =	ssyncset.done $0x0  }
0xf7: {  	[sflag:s21] =	ssyncadd.s32 $0xFFFFF800  }
0xf8: {  	_ =	swait.ge [sflag:s21], $0x800  }
0xf9: {  	s29 =	smov.u32 s25;
	s31 =	rddreg [dreg:$0x5];
	[sflag:s21] =	ssyncset.done $0x0  }
0xfa: {  	[sflag:s21] =	ssyncadd.s32 $0xFFFFF800;
	s30 =	sadd.s32 s29, s31  }
0xfb: {  	[hbm4b:s30+s22] =	stream.strided.scatter [tilespmem:s15], [sflag:$0x3], $0x4000, s14, s22, $0x38;
	[tilespmem:$0xC800] =	vst v63  }
0xfc: {  	_ =	swait.ge [sflag:s10], $0x4000  }
0xfd: {  	p0 =	sne.s32 s25, $0x30000;
	s25 =	sadd.s32 $0x2000, s25;
	[sflag:s10] =	ssyncset.done $0x0  }
.Ltmp0:
0xfe: {  	s0 =	sadd.s32 $0x4, s30;
	[sflag:s10] =	ssyncadd.s32 $0xFFFFC000;
	(pc) =	sbr.rel @p0 .LBB2_2-.Ltmp0, $4  }
0xff: {  	[hbm4b:s0+s23] =	stream.strided.scatter [tilespmem:s17], [sflag:$0x3], $0x2000, s14, s23, $0x38;
	[tilespmem:$0xC800] =	vst v63  }
0x100: {  	s28 =	sadd.s32 $0x40, s28;
	s26 =	sadd.s32 $0x40, s26;
	_ =	swait.ge [sflag:s10], $0x2000  }
0x101: {  	s13 =	simm.s32 $0x600;
	s12 =	simm.s32 $0x400;
	[sflag:s10] =	ssyncset.done $0x0  }
0x102: {  	s11 =	simm.s32 $0x200;
	s29 =	sadd.s32 $0x8, s30;
	[sflag:s10] =	ssyncadd.s32 $0xFFFFE000  }
0x103: {  	[hbm4b:s29+s22] =	stream.strided.scatter [tilespmem:s16], [sflag:$0x3], $0x4000, s14, s22, $0x38;
	[tilespmem:$0xC800] =	vst v63  }
0x104: {  	_ =	swait.ge [sflag:s10], $0x4000  }
0x105: {  	[sflag:s10] =	ssyncset.done $0x0  }
0x106: {  	s0 =	sadd.s32 $0xC, s30;
	[sflag:s10] =	ssyncadd.s32 $0xFFFFC000  }
0x107: {  	[hbm4b:s0+s23] =	stream.strided.scatter [tilespmem:s18], [sflag:$0x3], $0x2000, s14, s23, $0x38;
	[tilespmem:$0xC800] =	vst v63  }
0x108: {  	_ =	swait.ge [sflag:s10], $0x2000  }
0x109: {  	s1 =	rddreg [dreg:$0x1d]  }
0x10a: {  	s31 =	rddreg [dreg:$0x1c];
	s1 =	sadd.s32 $0x1, s1  }
0x10b: {  	p0 =	sne.s32 s1, s31  }
.Ltmp1:
0x10c: {  	_ = 	snop;
	(pc) =	sbr.rel @p0 .LBB2_1-.Ltmp1, $3  }
0x10d: {  	_ =	sdelay $0x1  }
0x10e: {  	[sflag:s10] =	ssyncset.done $0x0  }
0x10f: {  	[sflag:s10] =	ssyncadd.s32 $0xFFFFE000  }
0x110: {  	_ =	sfence.sel $0x180000  }
0x111: {  	[bflag:$0x0] =	sbarrier.arrive $0xFFFF  }
0x112: {  	_ =	strace $0x90000047  }
0x113: {  	s0 =	stileid.u32;
	[bflag:$0x2] =	sbarrier.arrive $0xFFFF  }
0x114: {  	p0 =	sne.s32 s0, $0x0;
	s0 =	rddreg [dreg:$0x4]  }
0x115: {  	s0 =	sadd.s32 @!p0 $0x100000, s0  }
0x116: {  	[sflag:s0] =	ssyncadd.tile.s32 @!p0 $0x1;
	_ =	shalt  }
.Lfunc_end2:
_tile_overlayer_lowered:
.L_overlay_start_2:
0x117: {  	(tag) =	ssettag $0x2  }
0x118: {  	s0 =	rddreg [dreg:$0x0];
	s2 =	stileid.u32  }
0x119: {  	s1 =	rddreg [dreg:$0x1];
	p0 =	sne.s32 s2, $0x0  }
0x11a: {  	s3 =	rddreg [dreg:$0x2];
	[bflag:$0x3] =	sbarrier.arrive $0xFFFF;
	s2 =	simm.s32 @!p0 $0x1C03  }
0x11b: {  	[timem:s3], [sflag:s2] =	dma.local @!p0 [hbm:s0], s1  }
0x11c: {  	s0 =	simm.s32 @!p0 $0x3  }
0x11d: {  	_ =	swait.ge @!p0 [sflag:s0], s1  }
0x11e: {  	s1 =	ssub.s32 @!p0 $0x0, s1;
	[sflag:s0] =	ssyncset.done @!p0 $0x0  }
0x11f: {  	[sflag:s0] =	ssyncadd.s32 @!p0 s1  }
0x120: {  	[bflag:$0x3] =	sbarrier.arrive $0xFFFF  }
0x121: {  	_ =	shalt  }

</sc_bundles>
